<compile_context>
chip_gen: v7x
topology: tpu7x:2x2x1
jax: 0.10.2.dev20260603
libtpu: 0.0.44.dev20260713+nightly
codegen_flags: <defaults>
</compile_context>

<pallas_src>
import functools

import jax
import jax.numpy as jnp
from jax import lax
from jax.experimental import pallas as pl
from jax.experimental.pallas import tpu as pltpu
from jax.experimental.pallas import tpu_sc as plsc

N = 10000
E = 320000
D_IN = 128
D_H = 16
D_OUT = 128
D_EDGE = 16
KH = 32
BN_EPS = 1e-5

NC, NS = 2, 16
NW = NC * NS
IDXB = 128
GROUP = 16
ROWS_W = 80
E_PAD = NW * ROWS_W * IDXB
PAD = E_PAD - E
N_ACC = 10240
N_P = 10240
BN_NODE = 1024
BE = 2048



def _node_prep_body(h_ref, sin_ref, bein_ref, w1_ref, b1_ref, p_ref):
    x = jnp.maximum(h_ref[...] * sin_ref[...] + bein_ref[...], 0.0)
    p = jnp.dot(x, w1_ref[...], preferred_element_type=jnp.float32)
    p_ref[...] = jnp.maximum(p + b1_ref[...], 0.0)


def _edge_body(m_ref, ea_ref, wk1_ref, bk1_ref, wk2_ref, bk2_ref, rm_ref,
               g_ref, msg_ref):
    m_p = m_ref[...]
    ea_p = ea_ref[...]
    kh_p = jnp.maximum(
        jnp.dot(ea_p, wk1_ref[...], preferred_element_type=jnp.float32)
        + bk1_ref[...], 0.0).astype(jnp.bfloat16)
    big = jnp.dot(kh_p, wk2_ref[...],
                  preferred_element_type=jnp.float32) + bk2_ref[...]
    mexp = jnp.dot(m_p.astype(jnp.bfloat16), rm_ref[...],
                   preferred_element_type=jnp.float32).astype(jnp.bfloat16)
    z = big[:, :2048].astype(jnp.bfloat16) * mexp
    msg_ref[...] = jnp.dot(z, g_ref[...],
                           preferred_element_type=jnp.float32) \
        + big[:, 2048:]


def _final_body(u0_ref, u1_ref, supd_ref, beupd_ref, w2_ref, b2_ref, o_ref):
    u = (u0_ref[...] + u1_ref[...]).reshape(BN_NODE, D_H)
    u = jnp.maximum(u * supd_ref[...] + beupd_ref[...], 0.0)
    o_ref[...] = jnp.dot(u, w2_ref[...],
                         preferred_element_type=jnp.float32) + b2_ref[...]



_MESH = plsc.VectorSubcoreMesh(core_axis_name="c", subcore_axis_name="s",
                               num_cores=NC, num_subcores=NS)


@functools.partial(
    pl.kernel, mesh=_MESH,
    compiler_params=pltpu.CompilerParams(use_tc_tiling_on_sc=False),
    out_type=jax.ShapeDtypeStruct((E_PAD, D_H), jnp.float32),
    scratch_types=[
        pltpu.VMEM((GROUP, IDXB), jnp.int32),
        pltpu.VMEM((GROUP * IDXB, D_H), jnp.float32),
        pltpu.VMEM_SHARED((N_P, D_H), jnp.float32),
        pltpu.SemaphoreType.DMA,
    ],
)
def _sc_gather(p_hbm, idx_hbm, out_hbm, idx_v, rows_v, p_sh, sem):
    cid = lax.axis_index("c")
    sid = lax.axis_index("s")
    wid = sid * NC + cid
    out_r = out_hbm

    @pl.when(sid == 0)
    def _stage_table():
        pltpu.sync_copy(p_hbm, p_sh)

    plsc.subcore_barrier()

    def body(g, carry):
        row0 = wid * ROWS_W + g * GROUP
        pltpu.sync_copy(idx_hbm.at[pl.ds(row0, GROUP)], idx_v)
        descs = [
            pltpu.async_copy(p_sh.at[idx_v.at[j]],
                             rows_v.at[pl.ds(j * IDXB, IDXB)], sem)
            for j in range(GROUP)
        ]
        for d in descs:
            d.wait()
        pltpu.sync_copy(rows_v, out_r.at[pl.ds(row0 * IDXB, GROUP * IDXB)])
        return carry

    lax.fori_loop(0, ROWS_W // GROUP, body, 0)


@functools.partial(
    pl.kernel, mesh=_MESH,
    compiler_params=pltpu.CompilerParams(use_tc_tiling_on_sc=False),
    out_type=jax.ShapeDtypeStruct((NC, N_ACC, D_H), jnp.float32),
    scratch_types=[
        pltpu.VMEM((GROUP, IDXB), jnp.int32),
        pltpu.VMEM((GROUP * IDXB, D_H), jnp.float32),
        pltpu.VMEM_SHARED((N_ACC, D_H), jnp.float32),
        pltpu.SemaphoreType.DMA,
    ],
)
def _sc_scatter(msg_hbm, dst_hbm, zeros_hbm, out_hbm, idx_v, rows_v, acc_sh,
                sem):
    cid = lax.axis_index("c")
    sid = lax.axis_index("s")
    wid = sid * NC + cid
    msg_r = msg_hbm
    out_r = out_hbm

    @pl.when(sid == 0)
    def _init():
        pltpu.sync_copy(zeros_hbm, acc_sh)

    plsc.subcore_barrier()

    def body(g, carry):
        row0 = wid * ROWS_W + g * GROUP
        pltpu.sync_copy(dst_hbm.at[pl.ds(row0, GROUP)], idx_v)
        pltpu.sync_copy(msg_r.at[pl.ds(row0 * IDXB, GROUP * IDXB)], rows_v)
        for j in range(GROUP):
            pltpu.sync_copy(rows_v.at[pl.ds(j * IDXB, IDXB)],
                            acc_sh.at[idx_v.at[j]], add=True)
        return carry

    lax.fori_loop(0, ROWS_W // GROUP, body, 0)
    plsc.subcore_barrier()

    rows_per_tile = N_ACC // NS
    pltpu.sync_copy(acc_sh.at[pl.ds(sid * rows_per_tile, rows_per_tile)],
                    out_r.at[cid, pl.ds(sid * rows_per_tile, rows_per_tile)])



def kernel(H, edges, edge_attr, W1, b1, Wk1, bk1, Wk2, bk2, W2, b2,
           g_in, be_in, g_msg, be_msg, g_upd, be_upd, g_out, be_out):
    f32 = jnp.float32
    inv = 1.0 / jnp.sqrt(jnp.asarray(1.0 + BN_EPS, f32))
    s_in = (g_in * inv)[None, :]
    s_upd = (g_upd * inv)[None, :]
    s_msg = g_msg * inv
    s_out = g_out * inv
    W1sT = (W1 * s_msg[:, None]).T
    b1s = (b1 * s_msg + be_msg)[None, :]
    Wk1T = Wk1.T
    bk1b = bk1[None, :]
    Wk2T = Wk2.T
    Wk2Tp = jnp.concatenate([Wk2T[:, 16:], Wk2T[:, :16]], axis=1)
    bk2p = jnp.concatenate([bk2[16:], bk2[:16]])[None, :]
    Rm = jnp.tile(jnp.eye(D_H, dtype=f32), (1, 16))
    G = jnp.kron(jnp.eye(D_H, dtype=f32), jnp.ones((16, 1), f32))
    W2sT = (W2 * s_out[:, None]).T
    b2s = (b2 * s_out + be_out)[None, :]

    idx_in = jnp.concatenate(
        [edges[1], jnp.zeros((PAD,), jnp.int32)]).reshape(NW * ROWS_W, IDXB)
    dst = jnp.concatenate(
        [edges[0], N + (jnp.arange(PAD, dtype=jnp.int32) % (N_ACC - N))]
    ).reshape(NW * ROWS_W, IDXB)
    ea_packed = jnp.concatenate(
        [edge_attr.reshape(E // 8, 128), jnp.zeros((PAD // 8, 128), f32)])
    zeros_acc = jnp.zeros((N_ACC, D_H), f32)

    rep = lambda shape: pl.BlockSpec(shape, lambda i: (0, 0))
    H_pad = jnp.concatenate([H, jnp.zeros((N_P - N, D_IN), f32)])
    H_pk = H_pad.reshape(N_P // 8, 8 * D_IN)
    W1bd = jnp.kron(jnp.eye(8, dtype=f32), W1sT)
    s_in8 = jnp.tile(s_in, (1, 8))
    be_in8 = jnp.tile(be_in[None, :], (1, 8))
    b1s8 = jnp.tile(b1s, (1, 8))
    P_packed = pl.pallas_call(
        _node_prep_body,
        grid=(N_P // BN_NODE,),
        in_specs=[
            pl.BlockSpec((BN_NODE // 8, 8 * D_IN), lambda i: (i, 0)),
            rep((1, 8 * D_IN)), rep((1, 8 * D_IN)),
            rep((8 * D_IN, 8 * D_H)), rep((1, 8 * D_H)),
        ],
        out_specs=pl.BlockSpec((BN_NODE // 8, 8 * D_H), lambda i: (i, 0)),
        out_shape=jax.ShapeDtypeStruct((N_P // 8, 8 * D_H), f32),
    )(H_pk, s_in8, be_in8, W1bd, b1s8)
    P = P_packed.reshape(N_P, D_H)

    m_raw = _sc_gather(P, idx_in)
    m_packed = m_raw.reshape(E_PAD // 8, 128)

    bf16 = jnp.bfloat16
    Wk1bd = jnp.kron(jnp.eye(8, dtype=f32), Wk1T)
    bk1b8 = jnp.tile(bk1b, (1, 8))
    Wk2bd = jnp.concatenate(
        [jnp.kron(jnp.eye(8, dtype=f32), Wk2Tp[:, :256]),
         jnp.kron(jnp.eye(8, dtype=f32), Wk2Tp[:, 256:])],
        axis=1).astype(bf16)
    bk2bd = jnp.concatenate(
        [jnp.tile(bk2p[:, :256], (1, 8)), jnp.tile(bk2p[:, 256:], (1, 8))],
        axis=1)
    Rmbd = jnp.kron(jnp.eye(8, dtype=f32), Rm).astype(bf16)
    Gbd = jnp.kron(jnp.eye(8, dtype=f32), G).astype(bf16)
    msg_packed = pl.pallas_call(
        _edge_body,
        grid=(E_PAD // BE,),
        in_specs=[
            pl.BlockSpec((BE // 8, 128), lambda i: (i, 0)),
            pl.BlockSpec((BE // 8, 128), lambda i: (i, 0)),
            rep((128, 8 * KH)), rep((1, 8 * KH)), rep((8 * KH, 2176)),
            rep((1, 2176)), rep((128, 2048)), rep((2048, 128)),
        ],
        out_specs=pl.BlockSpec((BE // 8, 128), lambda i: (i, 0)),
        out_shape=jax.ShapeDtypeStruct((E_PAD // 8, 128), f32),
    )(m_packed, ea_packed, Wk1bd, bk1b8, Wk2bd, bk2bd, Rmbd, Gbd)

    msg = msg_packed.reshape(E_PAD, D_H)
    parts = _sc_scatter(msg, dst, zeros_acc)
    parts_packed = parts.reshape(NC, N_ACC // 8, 8, D_H)

    rep3 = lambda shape: pl.BlockSpec(shape, lambda i: (i, 0, 0))
    out = pl.pallas_call(
        _final_body,
        grid=(N_ACC // BN_NODE,),
        in_specs=[
            rep3((BN_NODE // 8, 8, D_H)),
            rep3((BN_NODE // 8, 8, D_H)),
            rep((1, D_H)), rep((1, D_H)), rep((D_H, D_OUT)), rep((1, D_OUT)),
        ],
        out_specs=pl.BlockSpec((BN_NODE, D_OUT), lambda i: (i, 0)),
        out_shape=jax.ShapeDtypeStruct((N_ACC, D_OUT), f32),
    )(parts_packed[0], parts_packed[1], s_upd, be_upd[None, :],
      W2sT, b2s)
    return out[:N]

# --- scband reference (transcript-rebuilt; emitter-appended) ---
"""Pipeline reference for scband-ieconv-layer-42116449305122 (READ-ONLY COPY).

The authoritative reference and input builder live on the scoring server;
editing this copy changes nothing except your own understanding.
"""

import jax, jax.numpy as jnp
import numpy as np

N = 10000
E = 320000
D_IN = 128
D_H = 16
D_OUT = 128
D_EDGE = 16
KH = 32
BN_EPS = 1e-5


def _bn_eval(x, gamma, beta):
    # BatchNorm1d in eval mode with fresh running stats (mean=0, var=1)
    return x / jnp.sqrt(1.0 + BN_EPS) * gamma + beta


def setup_inputs(seed: int = 0) -> dict:
    key = jax.random.key(seed)
    ks = jax.random.split(key, 16)
    H = jax.random.normal(ks[0], (N, D_IN), dtype=jnp.float32)
    edges = jax.random.randint(ks[1], (2, E), 0, N, dtype=jnp.int32)
    edge_attr = jax.random.normal(ks[2], (E, D_EDGE), dtype=jnp.float32)
    # learned parameters
    W1 = jax.random.normal(ks[3], (D_H, D_IN), dtype=jnp.float32) * 0.05
    b1 = jnp.zeros((D_H,), dtype=jnp.float32)
    Wk1 = jax.random.normal(ks[4], (KH, D_EDGE), dtype=jnp.float32) * 0.1
    bk1 = jnp.zeros((KH,), dtype=jnp.float32)
    Wk2 = jax.random.normal(ks[5], ((D_H + 1) * D_H, KH), dtype=jnp.float32) * 0.05
    bk2 = jnp.zeros(((D_H + 1) * D_H,), dtype=jnp.float32)
    W2 = jax.random.normal(ks[6], (D_OUT, D_H), dtype=jnp.float32) * 0.1
    b2 = jnp.zeros((D_OUT,), dtype=jnp.float32)
    g_in = jnp.ones((D_IN,), dtype=jnp.float32)
    be_in = jnp.zeros((D_IN,), dtype=jnp.float32)
    g_msg = jnp.ones((D_H,), dtype=jnp.float32)
    be_msg = jnp.zeros((D_H,), dtype=jnp.float32)
    g_upd = jnp.ones((D_H,), dtype=jnp.float32)
    be_upd = jnp.zeros((D_H,), dtype=jnp.float32)
    g_out = jnp.ones((D_OUT,), dtype=jnp.float32)
    be_out = jnp.zeros((D_OUT,), dtype=jnp.float32)
    return {"H": H, "edges": edges, "edge_attr": edge_attr, "W1": W1, "b1": b1,
            "Wk1": Wk1, "bk1": bk1, "Wk2": Wk2, "bk2": bk2, "W2": W2, "b2": b2,
            "g_in": g_in, "be_in": be_in, "g_msg": g_msg, "be_msg": be_msg,
            "g_upd": g_upd, "be_upd": be_upd, "g_out": g_out, "be_out": be_out}


def reference(H, edges, edge_attr, W1, b1, Wk1, bk1, Wk2, bk2, W2, b2,
              g_in, be_in, g_msg, be_msg, g_upd, be_upd, g_out, be_out):
    node_out = edges[0]
    node_in = edges[1]
    Hn = _bn_eval(H, g_in, be_in)
    layer_input = jax.nn.relu(Hn)  # dropout is identity in eval
    # message
    m = jnp.take(layer_input, node_in, axis=0) @ W1.T + b1
    m = _bn_eval(m, g_msg, be_msg)
    m = jax.nn.relu(m)
    kh = jax.nn.relu(edge_attr @ Wk1.T + bk1)
    kernel = (kh @ Wk2.T + bk2).reshape(-1, D_H + 1, D_H)
    msg = jnp.einsum('ijk,ik->ij', kernel[:, 1:, :], m) + kernel[:, 0, :]
    # aggregate (scatter-add over destination nodes)
    update = jax.ops.segment_sum(msg, node_out, num_segments=N)
    # combine
    update = jax.nn.relu(_bn_eval(update, g_upd, be_upd))
    output = update @ W2.T + b2
    output = _bn_eval(output, g_out, be_out)
    return output

if __name__ == "__main__":
    import jax
    _d = setup_inputs()
    print(jax.jit(kernel)(*tuple(_d.values())))

</pallas_src>

<mosaic_0001>
#map = affine_map<(d0, d1) -> (0, 0)>
module attributes {stable_mosaic.version = 14 : i64} {
  func.func @_sc_gather(%arg0: i32, %arg1: i32, %arg2: memref<10240x16xf32, #tpu.memory_space<hbm>>, %arg3: memref<2560x128xi32, #tpu.memory_space<hbm>>, %arg4: memref<327680x16xf32, #tpu.memory_space<hbm>>, %arg5: memref<16x128xi32, #tpu.memory_space<vmem>>, %arg6: memref<2048x16xf32, #tpu.memory_space<vmem>>, %arg7: memref<10240x16xf32, #tpu.memory_space<vmem_shared>>, %arg8: memref<!tpu.dma_semaphore, #tpu.memory_space<semaphore_mem>>) attributes {dimension_semantics = [#tpu.dimension_semantics<core_parallel>, #tpu.dimension_semantics<subcore_parallel>], iteration_bounds = array<i64: 2, 16>, scalar_prefetch = 0 : i64, scratch_operands = 4 : i64, tpu.core_type = #tpu.core_type<sc_vector_subcore>, window_params = [{transform_indices = #map}, {transform_indices = #map}, {transform_indices = #map}]} {
    %mul3A = arith.constant 2 : i32
    %mul3A_0 = arith.muli %arg1, %mul3A : i32
    %add3A = arith.addi %mul3A_0, %arg0 : i32
    %eq3A = arith.constant 0 : i32
    %eq3A_1 = arith.cmpi eq, %arg1, %eq3A : i32
    %convert_element_type3A = arith.extui %eq3A_1 : i1 to i32
    %cond3A = arith.constant 0 : i32
    %cond3A_2 = arith.cmpi ne, %convert_element_type3A, %cond3A : i32
    scf.if %cond3A_2 {
      "tpu.region"() ({
        %run_scoped3A = tpu.sem_alloc : memref<!tpu.dma_semaphore, #tpu.memory_space<semaphore_mem>>
        tpu.enqueue_dma source(%arg2 : memref<10240x16xf32, #tpu.memory_space<hbm>>) target(%arg7 : memref<10240x16xf32, #tpu.memory_space<vmem_shared>>) target_semaphore(%run_scoped3A : memref<!tpu.dma_semaphore, #tpu.memory_space<semaphore_mem>>)
        tpu.wait_dma2 semaphore(%run_scoped3A : memref<!tpu.dma_semaphore, #tpu.memory_space<semaphore_mem>>) src(%arg2 : memref<10240x16xf32, #tpu.memory_space<hbm>>) dst(%arg7 : memref<10240x16xf32, #tpu.memory_space<vmem_shared>>)
        tpu.yield
      }) : () -> ()
    } else {
    }
    %barrier3A = arith.constant 0 : index
    tpu.barrier barrier_id(%barrier3A)
    %scan3A = arith.constant 0 : i32
    %scan3A_3 = arith.constant 0 : i32
    %scan3A_4 = arith.constant 5 : i32
    %scan3A_5 = arith.addi %scan3A_3, %scan3A_4 : i32
    %scan3A_6 = arith.constant 1 : i32
    scf.for %scan3A_8 = %scan3A_3 to %scan3A_5 step %scan3A_6  : i32 {
      %mul3A_9 = arith.constant 80 : i32
      %mul3A_10 = arith.muli %add3A, %mul3A_9 : i32
      %mul3A_11 = arith.constant 16 : i32
      %mul3A_12 = arith.muli %scan3A_8, %mul3A_11 : i32
      %add3A_13 = arith.addi %mul3A_10, %mul3A_12 : i32
      "tpu.region"() ({
        %run_scoped3A = tpu.sem_alloc : memref<!tpu.dma_semaphore, #tpu.memory_space<semaphore_mem>>
        %dma_start3A_334 = arith.constant 0 : i32
        %dma_start3A_335 = tpu.memref_slice %arg3[%add3A_13, %dma_start3A_334] : memref<2560x128xi32, #tpu.memory_space<hbm>> -> memref<16x128xi32, #tpu.memory_space<hbm>>
        %dma_start3A_336 = arith.constant 0 : i32
        %dma_start3A_337 = tpu.memref_slice %arg3[%add3A_13, %dma_start3A_336] : memref<2560x128xi32, #tpu.memory_space<hbm>> -> memref<16x128xi32, #tpu.memory_space<hbm>>
        tpu.enqueue_dma source(%dma_start3A_337 : memref<16x128xi32, #tpu.memory_space<hbm>>) target(%arg5 : memref<16x128xi32, #tpu.memory_space<vmem>>) target_semaphore(%run_scoped3A : memref<!tpu.dma_semaphore, #tpu.memory_space<semaphore_mem>>)
        %dma_wait3A_338 = arith.constant 0 : i32
        %dma_wait3A_339 = tpu.memref_slice %arg3[%add3A_13, %dma_wait3A_338] : memref<2560x128xi32, #tpu.memory_space<hbm>> -> memref<16x128xi32, #tpu.memory_space<hbm>>
        %dma_wait3A_340 = arith.constant 0 : i32
        %dma_wait3A_341 = tpu.memref_slice %arg3[%add3A_13, %dma_wait3A_340] : memref<2560x128xi32, #tpu.memory_space<hbm>> -> memref<16x128xi32, #tpu.memory_space<hbm>>
        tpu.wait_dma2 semaphore(%run_scoped3A : memref<!tpu.dma_semaphore, #tpu.memory_space<semaphore_mem>>) src(%dma_wait3A_341 : memref<16x128xi32, #tpu.memory_space<hbm>>) dst(%arg5 : memref<16x128xi32, #tpu.memory_space<vmem>>)
        tpu.yield
      }) : () -> ()
      %dma_start3A = arith.constant 0 : i32
      %dma_start3A_14 = arith.constant 0 : i32
      %dma_start3A_15 = arith.constant 0 : i32
      %dma_start3A_16 = tpu.memref_slice %arg6[%dma_start3A_14, %dma_start3A_15] : memref<2048x16xf32, #tpu.memory_space<vmem>> -> memref<128x16xf32, #tpu.memory_space<vmem>>
      %dma_start3A_17 = arith.constant 0 : i32
      %dma_start3A_18 = tpu.memref_slice %arg5[%dma_start3A, %dma_start3A_17] : memref<16x128xi32, #tpu.memory_space<vmem>> -> memref<1x128xi32, #tpu.memory_space<vmem>>
      %dma_start3A_19 = tpu.memref_squeeze %dma_start3A_18 : memref<1x128xi32, #tpu.memory_space<vmem>> -> memref<128xi32, #tpu.memory_space<vmem>>
      %dma_start3A_20 = arith.constant 0 : i32
      %dma_start3A_21 = arith.constant 0 : i32
      %dma_start3A_22 = tpu.memref_slice %arg7[%dma_start3A_20, %dma_start3A_21] : memref<10240x16xf32, #tpu.memory_space<vmem_shared>> -> memref<10240x16xf32, #tpu.memory_space<vmem_shared>>
      tpu.enqueue_indirect_dma source(%dma_start3A_22 : memref<10240x16xf32, #tpu.memory_space<vmem_shared>>) target(%dma_start3A_16 : memref<128x16xf32, #tpu.memory_space<vmem>>) offsets(%dma_start3A_19 : memref<128xi32, #tpu.memory_space<vmem>>) semaphore(%arg8 : memref<!tpu.dma_semaphore, #tpu.memory_space<semaphore_mem>>)
      %dma_start3A_23 = arith.constant 1 : i32
      %dma_start3A_24 = arith.constant 128 : i32
      %dma_start3A_25 = arith.constant 0 : i32
      %dma_start3A_26 = tpu.memref_slice %arg6[%dma_start3A_24, %dma_start3A_25] : memref<2048x16xf32, #tpu.memory_space<vmem>> -> memref<128x16xf32, #tpu.memory_space<vmem>>
      %dma_start3A_27 = arith.constant 0 : i32
      %dma_start3A_28 = tpu.memref_slice %arg5[%dma_start3A_23, %dma_start3A_27] : memref<16x128xi32, #tpu.memory_space<vmem>> -> memref<1x128xi32, #tpu.memory_space<vmem>>
      %dma_start3A_29 = tpu.memref_squeeze %dma_start3A_28 : memref<1x128xi32, #tpu.memory_space<vmem>> -> memref<128xi32, #tpu.memory_space<vmem>>
      %dma_start3A_30 = arith.constant 0 : i32
      %dma_start3A_31 = arith.constant 0 : i32
      %dma_start3A_32 = tpu.memref_slice %arg7[%dma_start3A_30, %dma_start3A_31] : memref<10240x16xf32, #tpu.memory_space<vmem_shared>> -> memref<10240x16xf32, #tpu.memory_space<vmem_shared>>
      tpu.enqueue_indirect_dma source(%dma_start3A_32 : memref<10240x16xf32, #tpu.memory_space<vmem_shared>>) target(%dma_start3A_26 : memref<128x16xf32, #tpu.memory_space<vmem>>) offsets(%dma_start3A_29 : memref<128xi32, #tpu.memory_space<vmem>>) semaphore(%arg8 : memref<!tpu.dma_semaphore, #tpu.memory_space<semaphore_mem>>)
      %dma_start3A_33 = arith.constant 2 : i32
      %dma_start3A_34 = arith.constant 256 : i32
      %dma_start3A_35 = arith.constant 0 : i32
      %dma_start3A_36 = tpu.memref_slice %arg6[%dma_start3A_34, %dma_start3A_35] : memref<2048x16xf32, #tpu.memory_space<vmem>> -> memref<128x16xf32, #tpu.memory_space<vmem>>
      %dma_start3A_37 = arith.constant 0 : i32
      %dma_start3A_38 = tpu.memref_slice %arg5[%dma_start3A_33, %dma_start3A_37] : memref<16x128xi32, #tpu.memory_space<vmem>> -> memref<1x128xi32, #tpu.memory_space<vmem>>
      %dma_start3A_39 = tpu.memref_squeeze %dma_start3A_38 : memref<1x128xi32, #tpu.memory_space<vmem>> -> memref<128xi32, #tpu.memory_space<vmem>>
      %dma_start3A_40 = arith.constant 0 : i32
      %dma_start3A_41 = arith.constant 0 : i32
      %dma_start3A_42 = tpu.memref_slice %arg7[%dma_start3A_40, %dma_start3A_41] : memref<10240x16xf32, #tpu.memory_space<vmem_shared>> -> memref<10240x16xf32, #tpu.memory_space<vmem_shared>>
      tpu.enqueue_indirect_dma source(%dma_start3A_42 : memref<10240x16xf32, #tpu.memory_space<vmem_shared>>) target(%dma_start3A_36 : memref<128x16xf32, #tpu.memory_space<vmem>>) offsets(%dma_start3A_39 : memref<128xi32, #tpu.memory_space<vmem>>) semaphore(%arg8 : memref<!tpu.dma_semaphore, #tpu.memory_space<semaphore_mem>>)
      %dma_start3A_43 = arith.constant 3 : i32
      %dma_start3A_44 = arith.constant 384 : i32
      %dma_start3A_45 = arith.constant 0 : i32
      %dma_start3A_46 = tpu.memref_slice %arg6[%dma_start3A_44, %dma_start3A_45] : memref<2048x16xf32, #tpu.memory_space<vmem>> -> memref<128x16xf32, #tpu.memory_space<vmem>>
      %dma_start3A_47 = arith.constant 0 : i32
      %dma_start3A_48 = tpu.memref_slice %arg5[%dma_start3A_43, %dma_start3A_47] : memref<16x128xi32, #tpu.memory_space<vmem>> -> memref<1x128xi32, #tpu.memory_space<vmem>>
      %dma_start3A_49 = tpu.memref_squeeze %dma_start3A_48 : memref<1x128xi32, #tpu.memory_space<vmem>> -> memref<128xi32, #tpu.memory_space<vmem>>
      %dma_start3A_50 = arith.constant 0 : i32
      %dma_start3A_51 = arith.constant 0 : i32
      %dma_start3A_52 = tpu.memref_slice %arg7[%dma_start3A_50, %dma_start3A_51] : memref<10240x16xf32, #tpu.memory_space<vmem_shared>> -> memref<10240x16xf32, #tpu.memory_space<vmem_shared>>
      tpu.enqueue_indirect_dma source(%dma_start3A_52 : memref<10240x16xf32, #tpu.memory_space<vmem_shared>>) target(%dma_start3A_46 : memref<128x16xf32, #tpu.memory_space<vmem>>) offsets(%dma_start3A_49 : memref<128xi32, #tpu.memory_space<vmem>>) semaphore(%arg8 : memref<!tpu.dma_semaphore, #tpu.memory_space<semaphore_mem>>)
      %dma_start3A_53 = arith.constant 4 : i32
      %dma_start3A_54 = arith.constant 512 : i32
      %dma_start3A_55 = arith.constant 0 : i32
      %dma_start3A_56 = tpu.memref_slice %arg6[%dma_start3A_54, %dma_start3A_55] : memref<2048x16xf32, #tpu.memory_space<vmem>> -> memref<128x16xf32, #tpu.memory_space<vmem>>
      %dma_start3A_57 = arith.constant 0 : i32
      %dma_start3A_58 = tpu.memref_slice %arg5[%dma_start3A_53, %dma_start3A_57] : memref<16x128xi32, #tpu.memory_space<vmem>> -> memref<1x128xi32, #tpu.memory_space<vmem>>
      %dma_start3A_59 = tpu.memref_squeeze %dma_start3A_58 : memref<1x128xi32, #tpu.memory_space<vmem>> -> memref<128xi32, #tpu.memory_space<vmem>>
      %dma_start3A_60 = arith.constant 0 : i32
      %dma_start3A_61 = arith.constant 0 : i32
      %dma_start3A_62 = tpu.memref_slice %arg7[%dma_start3A_60, %dma_start3A_61] : memref<10240x16xf32, #tpu.memory_space<vmem_shared>> -> memref<10240x16xf32, #tpu.memory_space<vmem_shared>>
      tpu.enqueue_indirect_dma source(%dma_start3A_62 : memref<10240x16xf32, #tpu.memory_space<vmem_shared>>) target(%dma_start3A_56 : memref<128x16xf32, #tpu.memory_space<vmem>>) offsets(%dma_start3A_59 : memref<128xi32, #tpu.memory_space<vmem>>) semaphore(%arg8 : memref<!tpu.dma_semaphore, #tpu.memory_space<semaphore_mem>>)
      %dma_start3A_63 = arith.constant 5 : i32
      %dma_start3A_64 = arith.constant 640 : i32
      %dma_start3A_65 = arith.constant 0 : i32
      %dma_start3A_66 = tpu.memref_slice %arg6[%dma_start3A_64, %dma_start3A_65] : memref<2048x16xf32, #tpu.memory_space<vmem>> -> memref<128x16xf32, #tpu.memory_space<vmem>>
      %dma_start3A_67 = arith.constant 0 : i32
      %dma_start3A_68 = tpu.memref_slice %arg5[%dma_start3A_63, %dma_start3A_67] : memref<16x128xi32, #tpu.memory_space<vmem>> -> memref<1x128xi32, #tpu.memory_space<vmem>>
      %dma_start3A_69 = tpu.memref_squeeze %dma_start3A_68 : memref<1x128xi32, #tpu.memory_space<vmem>> -> memref<128xi32, #tpu.memory_space<vmem>>
      %dma_start3A_70 = arith.constant 0 : i32
      %dma_start3A_71 = arith.constant 0 : i32
      %dma_start3A_72 = tpu.memref_slice %arg7[%dma_start3A_70, %dma_start3A_71] : memref<10240x16xf32, #tpu.memory_space<vmem_shared>> -> memref<10240x16xf32, #tpu.memory_space<vmem_shared>>
      tpu.enqueue_indirect_dma source(%dma_start3A_72 : memref<10240x16xf32, #tpu.memory_space<vmem_shared>>) target(%dma_start3A_66 : memref<128x16xf32, #tpu.memory_space<vmem>>) offsets(%dma_start3A_69 : memref<128xi32, #tpu.memory_space<vmem>>) semaphore(%arg8 : memref<!tpu.dma_semaphore, #tpu.memory_space<semaphore_mem>>)
      %dma_start3A_73 = arith.constant 6 : i32
      %dma_start3A_74 = arith.constant 768 : i32
      %dma_start3A_75 = arith.constant 0 : i32
      %dma_start3A_76 = tpu.memref_slice %arg6[%dma_start3A_74, %dma_start3A_75] : memref<2048x16xf32, #tpu.memory_space<vmem>> -> memref<128x16xf32, #tpu.memory_space<vmem>>
      %dma_start3A_77 = arith.constant 0 : i32
      %dma_start3A_78 = tpu.memref_slice %arg5[%dma_start3A_73, %dma_start3A_77] : memref<16x128xi32, #tpu.memory_space<vmem>> -> memref<1x128xi32, #tpu.memory_space<vmem>>
      %dma_start3A_79 = tpu.memref_squeeze %dma_start3A_78 : memref<1x128xi32, #tpu.memory_space<vmem>> -> memref<128xi32, #tpu.memory_space<vmem>>
      %dma_start3A_80 = arith.constant 0 : i32
      %dma_start3A_81 = arith.constant 0 : i32
      %dma_start3A_82 = tpu.memref_slice %arg7[%dma_start3A_80, %dma_start3A_81] : memref<10240x16xf32, #tpu.memory_space<vmem_shared>> -> memref<10240x16xf32, #tpu.memory_space<vmem_shared>>
      tpu.enqueue_indirect_dma source(%dma_start3A_82 : memref<10240x16xf32, #tpu.memory_space<vmem_shared>>) target(%dma_start3A_76 : memref<128x16xf32, #tpu.memory_space<vmem>>) offsets(%dma_start3A_79 : memref<128xi32, #tpu.memory_space<vmem>>) semaphore(%arg8 : memref<!tpu.dma_semaphore, #tpu.memory_space<semaphore_mem>>)
      %dma_start3A_83 = arith.constant 7 : i32
      %dma_start3A_84 = arith.constant 896 : i32
      %dma_start3A_85 = arith.constant 0 : i32
      %dma_start3A_86 = tpu.memref_slice %arg6[%dma_start3A_84, %dma_start3A_85] : memref<2048x16xf32, #tpu.memory_space<vmem>> -> memref<128x16xf32, #tpu.memory_space<vmem>>
      %dma_start3A_87 = arith.constant 0 : i32
      %dma_start3A_88 = tpu.memref_slice %arg5[%dma_start3A_83, %dma_start3A_87] : memref<16x128xi32, #tpu.memory_space<vmem>> -> memref<1x128xi32, #tpu.memory_space<vmem>>
      %dma_start3A_89 = tpu.memref_squeeze %dma_start3A_88 : memref<1x128xi32, #tpu.memory_space<vmem>> -> memref<128xi32, #tpu.memory_space<vmem>>
      %dma_start3A_90 = arith.constant 0 : i32
      %dma_start3A_91 = arith.constant 0 : i32
      %dma_start3A_92 = tpu.memref_slice %arg7[%dma_start3A_90, %dma_start3A_91] : memref<10240x16xf32, #tpu.memory_space<vmem_shared>> -> memref<10240x16xf32, #tpu.memory_space<vmem_shared>>
      tpu.enqueue_indirect_dma source(%dma_start3A_92 : memref<10240x16xf32, #tpu.memory_space<vmem_shared>>) target(%dma_start3A_86 : memref<128x16xf32, #tpu.memory_space<vmem>>) offsets(%dma_start3A_89 : memref<128xi32, #tpu.memory_space<vmem>>) semaphore(%arg8 : memref<!tpu.dma_semaphore, #tpu.memory_space<semaphore_mem>>)
      %dma_start3A_93 = arith.constant 8 : i32
      %dma_start3A_94 = arith.constant 1024 : i32
      %dma_start3A_95 = arith.constant 0 : i32
      %dma_start3A_96 = tpu.memref_slice %arg6[%dma_start3A_94, %dma_start3A_95] : memref<2048x16xf32, #tpu.memory_space<vmem>> -> memref<128x16xf32, #tpu.memory_space<vmem>>
      %dma_start3A_97 = arith.constant 0 : i32
      %dma_start3A_98 = tpu.memref_slice %arg5[%dma_start3A_93, %dma_start3A_97] : memref<16x128xi32, #tpu.memory_space<vmem>> -> memref<1x128xi32, #tpu.memory_space<vmem>>
      %dma_start3A_99 = tpu.memref_squeeze %dma_start3A_98 : memref<1x128xi32, #tpu.memory_space<vmem>> -> memref<128xi32, #tpu.memory_space<vmem>>
      %dma_start3A_100 = arith.constant 0 : i32
      %dma_start3A_101 = arith.constant 0 : i32
      %dma_start3A_102 = tpu.memref_slice %arg7[%dma_start3A_100, %dma_start3A_101] : memref<10240x16xf32, #tpu.memory_space<vmem_shared>> -> memref<10240x16xf32, #tpu.memory_space<vmem_shared>>
      tpu.enqueue_indirect_dma source(%dma_start3A_102 : memref<10240x16xf32, #tpu.memory_space<vmem_shared>>) target(%dma_start3A_96 : memref<128x16xf32, #tpu.memory_space<vmem>>) offsets(%dma_start3A_99 : memref<128xi32, #tpu.memory_space<vmem>>) semaphore(%arg8 : memref<!tpu.dma_semaphore, #tpu.memory_space<semaphore_mem>>)
      %dma_start3A_103 = arith.constant 9 : i32
      %dma_start3A_104 = arith.constant 1152 : i32
      %dma_start3A_105 = arith.constant 0 : i32
      %dma_start3A_106 = tpu.memref_slice %arg6[%dma_start3A_104, %dma_start3A_105] : memref<2048x16xf32, #tpu.memory_space<vmem>> -> memref<128x16xf32, #tpu.memory_space<vmem>>
      %dma_start3A_107 = arith.constant 0 : i32
      %dma_start3A_108 = tpu.memref_slice %arg5[%dma_start3A_103, %dma_start3A_107] : memref<16x128xi32, #tpu.memory_space<vmem>> -> memref<1x128xi32, #tpu.memory_space<vmem>>
      %dma_start3A_109 = tpu.memref_squeeze %dma_start3A_108 : memref<1x128xi32, #tpu.memory_space<vmem>> -> memref<128xi32, #tpu.memory_space<vmem>>
      %dma_start3A_110 = arith.constant 0 : i32
      %dma_start3A_111 = arith.constant 0 : i32
      %dma_start3A_112 = tpu.memref_slice %arg7[%dma_start3A_110, %dma_start3A_111] : memref<10240x16xf32, #tpu.memory_space<vmem_shared>> -> memref<10240x16xf32, #tpu.memory_space<vmem_shared>>
      tpu.enqueue_indirect_dma source(%dma_start3A_112 : memref<10240x16xf32, #tpu.memory_space<vmem_shared>>) target(%dma_start3A_106 : memref<128x16xf32, #tpu.memory_space<vmem>>) offsets(%dma_start3A_109 : memref<128xi32, #tpu.memory_space<vmem>>) semaphore(%arg8 : memref<!tpu.dma_semaphore, #tpu.memory_space<semaphore_mem>>)
      %dma_start3A_113 = arith.constant 10 : i32
      %dma_start3A_114 = arith.constant 1280 : i32
      %dma_start3A_115 = arith.constant 0 : i32
      %dma_start3A_116 = tpu.memref_slice %arg6[%dma_start3A_114, %dma_start3A_115] : memref<2048x16xf32, #tpu.memory_space<vmem>> -> memref<128x16xf32, #tpu.memory_space<vmem>>
      %dma_start3A_117 = arith.constant 0 : i32
      %dma_start3A_118 = tpu.memref_slice %arg5[%dma_start3A_113, %dma_start3A_117] : memref<16x128xi32, #tpu.memory_space<vmem>> -> memref<1x128xi32, #tpu.memory_space<vmem>>
      %dma_start3A_119 = tpu.memref_squeeze %dma_start3A_118 : memref<1x128xi32, #tpu.memory_space<vmem>> -> memref<128xi32, #tpu.memory_space<vmem>>
      %dma_start3A_120 = arith.constant 0 : i32
      %dma_start3A_121 = arith.constant 0 : i32
      %dma_start3A_122 = tpu.memref_slice %arg7[%dma_start3A_120, %dma_start3A_121] : memref<10240x16xf32, #tpu.memory_space<vmem_shared>> -> memref<10240x16xf32, #tpu.memory_space<vmem_shared>>
      tpu.enqueue_indirect_dma source(%dma_start3A_122 : memref<10240x16xf32, #tpu.memory_space<vmem_shared>>) target(%dma_start3A_116 : memref<128x16xf32, #tpu.memory_space<vmem>>) offsets(%dma_start3A_119 : memref<128xi32, #tpu.memory_space<vmem>>) semaphore(%arg8 : memref<!tpu.dma_semaphore, #tpu.memory_space<semaphore_mem>>)
      %dma_start3A_123 = arith.constant 11 : i32
      %dma_start3A_124 = arith.constant 1408 : i32
      %dma_start3A_125 = arith.constant 0 : i32
      %dma_start3A_126 = tpu.memref_slice %arg6[%dma_start3A_124, %dma_start3A_125] : memref<2048x16xf32, #tpu.memory_space<vmem>> -> memref<128x16xf32, #tpu.memory_space<vmem>>
      %dma_start3A_127 = arith.constant 0 : i32
      %dma_start3A_128 = tpu.memref_slice %arg5[%dma_start3A_123, %dma_start3A_127] : memref<16x128xi32, #tpu.memory_space<vmem>> -> memref<1x128xi32, #tpu.memory_space<vmem>>
      %dma_start3A_129 = tpu.memref_squeeze %dma_start3A_128 : memref<1x128xi32, #tpu.memory_space<vmem>> -> memref<128xi32, #tpu.memory_space<vmem>>
      %dma_start3A_130 = arith.constant 0 : i32
      %dma_start3A_131 = arith.constant 0 : i32
      %dma_start3A_132 = tpu.memref_slice %arg7[%dma_start3A_130, %dma_start3A_131] : memref<10240x16xf32, #tpu.memory_space<vmem_shared>> -> memref<10240x16xf32, #tpu.memory_space<vmem_shared>>
      tpu.enqueue_indirect_dma source(%dma_start3A_132 : memref<10240x16xf32, #tpu.memory_space<vmem_shared>>) target(%dma_start3A_126 : memref<128x16xf32, #tpu.memory_space<vmem>>) offsets(%dma_start3A_129 : memref<128xi32, #tpu.memory_space<vmem>>) semaphore(%arg8 : memref<!tpu.dma_semaphore, #tpu.memory_space<semaphore_mem>>)
      %dma_start3A_133 = arith.constant 12 : i32
      %dma_start3A_134 = arith.constant 1536 : i32
      %dma_start3A_135 = arith.constant 0 : i32
      %dma_start3A_136 = tpu.memref_slice %arg6[%dma_start3A_134, %dma_start3A_135] : memref<2048x16xf32, #tpu.memory_space<vmem>> -> memref<128x16xf32, #tpu.memory_space<vmem>>
      %dma_start3A_137 = arith.constant 0 : i32
      %dma_start3A_138 = tpu.memref_slice %arg5[%dma_start3A_133, %dma_start3A_137] : memref<16x128xi32, #tpu.memory_space<vmem>> -> memref<1x128xi32, #tpu.memory_space<vmem>>
      %dma_start3A_139 = tpu.memref_squeeze %dma_start3A_138 : memref<1x128xi32, #tpu.memory_space<vmem>> -> memref<128xi32, #tpu.memory_space<vmem>>
      %dma_start3A_140 = arith.constant 0 : i32
      %dma_start3A_141 = arith.constant 0 : i32
      %dma_start3A_142 = tpu.memref_slice %arg7[%dma_start3A_140, %dma_start3A_141] : memref<10240x16xf32, #tpu.memory_space<vmem_shared>> -> memref<10240x16xf32, #tpu.memory_space<vmem_shared>>
      tpu.enqueue_indirect_dma source(%dma_start3A_142 : memref<10240x16xf32, #tpu.memory_space<vmem_shared>>) target(%dma_start3A_136 : memref<128x16xf32, #tpu.memory_space<vmem>>) offsets(%dma_start3A_139 : memref<128xi32, #tpu.memory_space<vmem>>) semaphore(%arg8 : memref<!tpu.dma_semaphore, #tpu.memory_space<semaphore_mem>>)
      %dma_start3A_143 = arith.constant 13 : i32
      %dma_start3A_144 = arith.constant 1664 : i32
      %dma_start3A_145 = arith.constant 0 : i32
      %dma_start3A_146 = tpu.memref_slice %arg6[%dma_start3A_144, %dma_start3A_145] : memref<2048x16xf32, #tpu.memory_space<vmem>> -> memref<128x16xf32, #tpu.memory_space<vmem>>
      %dma_start3A_147 = arith.constant 0 : i32
      %dma_start3A_148 = tpu.memref_slice %arg5[%dma_start3A_143, %dma_start3A_147] : memref<16x128xi32, #tpu.memory_space<vmem>> -> memref<1x128xi32, #tpu.memory_space<vmem>>
      %dma_start3A_149 = tpu.memref_squeeze %dma_start3A_148 : memref<1x128xi32, #tpu.memory_space<vmem>> -> memref<128xi32, #tpu.memory_space<vmem>>
      %dma_start3A_150 = arith.constant 0 : i32
      %dma_start3A_151 = arith.constant 0 : i32
      %dma_start3A_152 = tpu.memref_slice %arg7[%dma_start3A_150, %dma_start3A_151] : memref<10240x16xf32, #tpu.memory_space<vmem_shared>> -> memref<10240x16xf32, #tpu.memory_space<vmem_shared>>
      tpu.enqueue_indirect_dma source(%dma_start3A_152 : memref<10240x16xf32, #tpu.memory_space<vmem_shared>>) target(%dma_start3A_146 : memref<128x16xf32, #tpu.memory_space<vmem>>) offsets(%dma_start3A_149 : memref<128xi32, #tpu.memory_space<vmem>>) semaphore(%arg8 : memref<!tpu.dma_semaphore, #tpu.memory_space<semaphore_mem>>)
      %dma_start3A_153 = arith.constant 14 : i32
      %dma_start3A_154 = arith.constant 1792 : i32
      %dma_start3A_155 = arith.constant 0 : i32
      %dma_start3A_156 = tpu.memref_slice %arg6[%dma_start3A_154, %dma_start3A_155] : memref<2048x16xf32, #tpu.memory_space<vmem>> -> memref<128x16xf32, #tpu.memory_space<vmem>>
      %dma_start3A_157 = arith.constant 0 : i32
      %dma_start3A_158 = tpu.memref_slice %arg5[%dma_start3A_153, %dma_start3A_157] : memref<16x128xi32, #tpu.memory_space<vmem>> -> memref<1x128xi32, #tpu.memory_space<vmem>>
      %dma_start3A_159 = tpu.memref_squeeze %dma_start3A_158 : memref<1x128xi32, #tpu.memory_space<vmem>> -> memref<128xi32, #tpu.memory_space<vmem>>
      %dma_start3A_160 = arith.constant 0 : i32
      %dma_start3A_161 = arith.constant 0 : i32
      %dma_start3A_162 = tpu.memref_slice %arg7[%dma_start3A_160, %dma_start3A_161] : memref<10240x16xf32, #tpu.memory_space<vmem_shared>> -> memref<10240x16xf32, #tpu.memory_space<vmem_shared>>
      tpu.enqueue_indirect_dma source(%dma_start3A_162 : memref<10240x16xf32, #tpu.memory_space<vmem_shared>>) target(%dma_start3A_156 : memref<128x16xf32, #tpu.memory_space<vmem>>) offsets(%dma_start3A_159 : memref<128xi32, #tpu.memory_space<vmem>>) semaphore(%arg8 : memref<!tpu.dma_semaphore, #tpu.memory_space<semaphore_mem>>)
      %dma_start3A_163 = arith.constant 15 : i32
      %dma_start3A_164 = arith.constant 1920 : i32
      %dma_start3A_165 = arith.constant 0 : i32
      %dma_start3A_166 = tpu.memref_slice %arg6[%dma_start3A_164, %dma_start3A_165] : memref<2048x16xf32, #tpu.memory_space<vmem>> -> memref<128x16xf32, #tpu.memory_space<vmem>>
      %dma_start3A_167 = arith.constant 0 : i32
      %dma_start3A_168 = tpu.memref_slice %arg5[%dma_start3A_163, %dma_start3A_167] : memref<16x128xi32, #tpu.memory_space<vmem>> -> memref<1x128xi32, #tpu.memory_space<vmem>>
      %dma_start3A_169 = tpu.memref_squeeze %dma_start3A_168 : memref<1x128xi32, #tpu.memory_space<vmem>> -> memref<128xi32, #tpu.memory_space<vmem>>
      %dma_start3A_170 = arith.constant 0 : i32
      %dma_start3A_171 = arith.constant 0 : i32
      %dma_start3A_172 = tpu.memref_slice %arg7[%dma_start3A_170, %dma_start3A_171] : memref<10240x16xf32, #tpu.memory_space<vmem_shared>> -> memref<10240x16xf32, #tpu.memory_space<vmem_shared>>
      tpu.enqueue_indirect_dma source(%dma_start3A_172 : memref<10240x16xf32, #tpu.memory_space<vmem_shared>>) target(%dma_start3A_166 : memref<128x16xf32, #tpu.memory_space<vmem>>) offsets(%dma_start3A_169 : memref<128xi32, #tpu.memory_space<vmem>>) semaphore(%arg8 : memref<!tpu.dma_semaphore, #tpu.memory_space<semaphore_mem>>)
      %dma_wait3A = arith.constant 0 : i32
      %dma_wait3A_173 = arith.constant 0 : i32
      %dma_wait3A_174 = arith.constant 0 : i32
      %dma_wait3A_175 = tpu.memref_slice %arg6[%dma_wait3A_173, %dma_wait3A_174] : memref<2048x16xf32, #tpu.memory_space<vmem>> -> memref<128x16xf32, #tpu.memory_space<vmem>>
      %dma_wait3A_176 = arith.constant 0 : i32
      %dma_wait3A_177 = tpu.memref_slice %arg5[%dma_wait3A, %dma_wait3A_176] : memref<16x128xi32, #tpu.memory_space<vmem>> -> memref<1x128xi32, #tpu.memory_space<vmem>>
      %dma_wait3A_178 = tpu.memref_squeeze %dma_wait3A_177 : memref<1x128xi32, #tpu.memory_space<vmem>> -> memref<128xi32, #tpu.memory_space<vmem>>
      %dma_wait3A_179 = arith.constant 0 : i32
      %dma_wait3A_180 = arith.constant 0 : i32
      %dma_wait3A_181 = tpu.memref_slice %arg7[%dma_wait3A_179, %dma_wait3A_180] : memref<10240x16xf32, #tpu.memory_space<vmem_shared>> -> memref<10240x16xf32, #tpu.memory_space<vmem_shared>>
      tpu.wait_indirect_dma semaphore(%arg8 : memref<!tpu.dma_semaphore, #tpu.memory_space<semaphore_mem>>) src(%dma_wait3A_181 : memref<10240x16xf32, #tpu.memory_space<vmem_shared>>) dst(%dma_wait3A_175 : memref<128x16xf32, #tpu.memory_space<vmem>>)
      %dma_wait3A_182 = arith.constant 1 : i32
      %dma_wait3A_183 = arith.constant 128 : i32
      %dma_wait3A_184 = arith.constant 0 : i32
      %dma_wait3A_185 = tpu.memref_slice %arg6[%dma_wait3A_183, %dma_wait3A_184] : memref<2048x16xf32, #tpu.memory_space<vmem>> -> memref<128x16xf32, #tpu.memory_space<vmem>>
      %dma_wait3A_186 = arith.constant 0 : i32
      %dma_wait3A_187 = tpu.memref_slice %arg5[%dma_wait3A_182, %dma_wait3A_186] : memref<16x128xi32, #tpu.memory_space<vmem>> -> memref<1x128xi32, #tpu.memory_space<vmem>>
      %dma_wait3A_188 = tpu.memref_squeeze %dma_wait3A_187 : memref<1x128xi32, #tpu.memory_space<vmem>> -> memref<128xi32, #tpu.memory_space<vmem>>
      %dma_wait3A_189 = arith.constant 0 : i32
      %dma_wait3A_190 = arith.constant 0 : i32
      %dma_wait3A_191 = tpu.memref_slice %arg7[%dma_wait3A_189, %dma_wait3A_190] : memref<10240x16xf32, #tpu.memory_space<vmem_shared>> -> memref<10240x16xf32, #tpu.memory_space<vmem_shared>>
      tpu.wait_indirect_dma semaphore(%arg8 : memref<!tpu.dma_semaphore, #tpu.memory_space<semaphore_mem>>) src(%dma_wait3A_191 : memref<10240x16xf32, #tpu.memory_space<vmem_shared>>) dst(%dma_wait3A_185 : memref<128x16xf32, #tpu.memory_space<vmem>>)
      %dma_wait3A_192 = arith.constant 2 : i32
      %dma_wait3A_193 = arith.constant 256 : i32
      %dma_wait3A_194 = arith.constant 0 : i32
      %dma_wait3A_195 = tpu.memref_slice %arg6[%dma_wait3A_193, %dma_wait3A_194] : memref<2048x16xf32, #tpu.memory_space<vmem>> -> memref<128x16xf32, #tpu.memory_space<vmem>>
      %dma_wait3A_196 = arith.constant 0 : i32
      %dma_wait3A_197 = tpu.memref_slice %arg5[%dma_wait3A_192, %dma_wait3A_196] : memref<16x128xi32, #tpu.memory_space<vmem>> -> memref<1x128xi32, #tpu.memory_space<vmem>>
      %dma_wait3A_198 = tpu.memref_squeeze %dma_wait3A_197 : memref<1x128xi32, #tpu.memory_space<vmem>> -> memref<128xi32, #tpu.memory_space<vmem>>
      %dma_wait3A_199 = arith.constant 0 : i32
      %dma_wait3A_200 = arith.constant 0 : i32
      %dma_wait3A_201 = tpu.memref_slice %arg7[%dma_wait3A_199, %dma_wait3A_200] : memref<10240x16xf32, #tpu.memory_space<vmem_shared>> -> memref<10240x16xf32, #tpu.memory_space<vmem_shared>>
      tpu.wait_indirect_dma semaphore(%arg8 : memref<!tpu.dma_semaphore, #tpu.memory_space<semaphore_mem>>) src(%dma_wait3A_201 : memref<10240x16xf32, #tpu.memory_space<vmem_shared>>) dst(%dma_wait3A_195 : memref<128x16xf32, #tpu.memory_space<vmem>>)
      %dma_wait3A_202 = arith.constant 3 : i32
      %dma_wait3A_203 = arith.constant 384 : i32
      %dma_wait3A_204 = arith.constant 0 : i32
      %dma_wait3A_205 = tpu.memref_slice %arg6[%dma_wait3A_203, %dma_wait3A_204] : memref<2048x16xf32, #tpu.memory_space<vmem>> -> memref<128x16xf32, #tpu.memory_space<vmem>>
      %dma_wait3A_206 = arith.constant 0 : i32
      %dma_wait3A_207 = tpu.memref_slice %arg5[%dma_wait3A_202, %dma_wait3A_206] : memref<16x128xi32, #tpu.memory_space<vmem>> -> memref<1x128xi32, #tpu.memory_space<vmem>>
      %dma_wait3A_208 = tpu.memref_squeeze %dma_wait3A_207 : memref<1x128xi32, #tpu.memory_space<vmem>> -> memref<128xi32, #tpu.memory_space<vmem>>
      %dma_wait3A_209 = arith.constant 0 : i32
      %dma_wait3A_210 = arith.constant 0 : i32
      %dma_wait3A_211 = tpu.memref_slice %arg7[%dma_wait3A_209, %dma_wait3A_210] : memref<10240x16xf32, #tpu.memory_space<vmem_shared>> -> memref<10240x16xf32, #tpu.memory_space<vmem_shared>>
      tpu.wait_indirect_dma semaphore(%arg8 : memref<!tpu.dma_semaphore, #tpu.memory_space<semaphore_mem>>) src(%dma_wait3A_211 : memref<10240x16xf32, #tpu.memory_space<vmem_shared>>) dst(%dma_wait3A_205 : memref<128x16xf32, #tpu.memory_space<vmem>>)
      %dma_wait3A_212 = arith.constant 4 : i32
      %dma_wait3A_213 = arith.constant 512 : i32
      %dma_wait3A_214 = arith.constant 0 : i32
      %dma_wait3A_215 = tpu.memref_slice %arg6[%dma_wait3A_213, %dma_wait3A_214] : memref<2048x16xf32, #tpu.memory_space<vmem>> -> memref<128x16xf32, #tpu.memory_space<vmem>>
      %dma_wait3A_216 = arith.constant 0 : i32
      %dma_wait3A_217 = tpu.memref_slice %arg5[%dma_wait3A_212, %dma_wait3A_216] : memref<16x128xi32, #tpu.memory_space<vmem>> -> memref<1x128xi32, #tpu.memory_space<vmem>>
      %dma_wait3A_218 = tpu.memref_squeeze %dma_wait3A_217 : memref<1x128xi32, #tpu.memory_space<vmem>> -> memref<128xi32, #tpu.memory_space<vmem>>
      %dma_wait3A_219 = arith.constant 0 : i32
      %dma_wait3A_220 = arith.constant 0 : i32
      %dma_wait3A_221 = tpu.memref_slice %arg7[%dma_wait3A_219, %dma_wait3A_220] : memref<10240x16xf32, #tpu.memory_space<vmem_shared>> -> memref<10240x16xf32, #tpu.memory_space<vmem_shared>>
      tpu.wait_indirect_dma semaphore(%arg8 : memref<!tpu.dma_semaphore, #tpu.memory_space<semaphore_mem>>) src(%dma_wait3A_221 : memref<10240x16xf32, #tpu.memory_space<vmem_shared>>) dst(%dma_wait3A_215 : memref<128x16xf32, #tpu.memory_space<vmem>>)
      %dma_wait3A_222 = arith.constant 5 : i32
      %dma_wait3A_223 = arith.constant 640 : i32
      %dma_wait3A_224 = arith.constant 0 : i32
      %dma_wait3A_225 = tpu.memref_slice %arg6[%dma_wait3A_223, %dma_wait3A_224] : memref<2048x16xf32, #tpu.memory_space<vmem>> -> memref<128x16xf32, #tpu.memory_space<vmem>>
      %dma_wait3A_226 = arith.constant 0 : i32
      %dma_wait3A_227 = tpu.memref_slice %arg5[%dma_wait3A_222, %dma_wait3A_226] : memref<16x128xi32, #tpu.memory_space<vmem>> -> memref<1x128xi32, #tpu.memory_space<vmem>>
      %dma_wait3A_228 = tpu.memref_squeeze %dma_wait3A_227 : memref<1x128xi32, #tpu.memory_space<vmem>> -> memref<128xi32, #tpu.memory_space<vmem>>
      %dma_wait3A_229 = arith.constant 0 : i32
      %dma_wait3A_230 = arith.constant 0 : i32
      %dma_wait3A_231 = tpu.memref_slice %arg7[%dma_wait3A_229, %dma_wait3A_230] : memref<10240x16xf32, #tpu.memory_space<vmem_shared>> -> memref<10240x16xf32, #tpu.memory_space<vmem_shared>>
      tpu.wait_indirect_dma semaphore(%arg8 : memref<!tpu.dma_semaphore, #tpu.memory_space<semaphore_mem>>) src(%dma_wait3A_231 : memref<10240x16xf32, #tpu.memory_space<vmem_shared>>) dst(%dma_wait3A_225 : memref<128x16xf32, #tpu.memory_space<vmem>>)
      %dma_wait3A_232 = arith.constant 6 : i32
      %dma_wait3A_233 = arith.constant 768 : i32
      %dma_wait3A_234 = arith.constant 0 : i32
      %dma_wait3A_235 = tpu.memref_slice %arg6[%dma_wait3A_233, %dma_wait3A_234] : memref<2048x16xf32, #tpu.memory_space<vmem>> -> memref<128x16xf32, #tpu.memory_space<vmem>>
      %dma_wait3A_236 = arith.constant 0 : i32
      %dma_wait3A_237 = tpu.memref_slice %arg5[%dma_wait3A_232, %dma_wait3A_236] : memref<16x128xi32, #tpu.memory_space<vmem>> -> memref<1x128xi32, #tpu.memory_space<vmem>>
      %dma_wait3A_238 = tpu.memref_squeeze %dma_wait3A_237 : memref<1x128xi32, #tpu.memory_space<vmem>> -> memref<128xi32, #tpu.memory_space<vmem>>
      %dma_wait3A_239 = arith.constant 0 : i32
      %dma_wait3A_240 = arith.constant 0 : i32
      %dma_wait3A_241 = tpu.memref_slice %arg7[%dma_wait3A_239, %dma_wait3A_240] : memref<10240x16xf32, #tpu.memory_space<vmem_shared>> -> memref<10240x16xf32, #tpu.memory_space<vmem_shared>>
      tpu.wait_indirect_dma semaphore(%arg8 : memref<!tpu.dma_semaphore, #tpu.memory_space<semaphore_mem>>) src(%dma_wait3A_241 : memref<10240x16xf32, #tpu.memory_space<vmem_shared>>) dst(%dma_wait3A_235 : memref<128x16xf32, #tpu.memory_space<vmem>>)
      %dma_wait3A_242 = arith.constant 7 : i32
      %dma_wait3A_243 = arith.constant 896 : i32
      %dma_wait3A_244 = arith.constant 0 : i32
      %dma_wait3A_245 = tpu.memref_slice %arg6[%dma_wait3A_243, %dma_wait3A_244] : memref<2048x16xf32, #tpu.memory_space<vmem>> -> memref<128x16xf32, #tpu.memory_space<vmem>>
      %dma_wait3A_246 = arith.constant 0 : i32
      %dma_wait3A_247 = tpu.memref_slice %arg5[%dma_wait3A_242, %dma_wait3A_246] : memref<16x128xi32, #tpu.memory_space<vmem>> -> memref<1x128xi32, #tpu.memory_space<vmem>>
      %dma_wait3A_248 = tpu.memref_squeeze %dma_wait3A_247 : memref<1x128xi32, #tpu.memory_space<vmem>> -> memref<128xi32, #tpu.memory_space<vmem>>
      %dma_wait3A_249 = arith.constant 0 : i32
      %dma_wait3A_250 = arith.constant 0 : i32
      %dma_wait3A_251 = tpu.memref_slice %arg7[%dma_wait3A_249, %dma_wait3A_250] : memref<10240x16xf32, #tpu.memory_space<vmem_shared>> -> memref<10240x16xf32, #tpu.memory_space<vmem_shared>>
      tpu.wait_indirect_dma semaphore(%arg8 : memref<!tpu.dma_semaphore, #tpu.memory_space<semaphore_mem>>) src(%dma_wait3A_251 : memref<10240x16xf32, #tpu.memory_space<vmem_shared>>) dst(%dma_wait3A_245 : memref<128x16xf32, #tpu.memory_space<vmem>>)
      %dma_wait3A_252 = arith.constant 8 : i32
      %dma_wait3A_253 = arith.constant 1024 : i32
      %dma_wait3A_254 = arith.constant 0 : i32
      %dma_wait3A_255 = tpu.memref_slice %arg6[%dma_wait3A_253, %dma_wait3A_254] : memref<2048x16xf32, #tpu.memory_space<vmem>> -> memref<128x16xf32, #tpu.memory_space<vmem>>
      %dma_wait3A_256 = arith.constant 0 : i32
      %dma_wait3A_257 = tpu.memref_slice %arg5[%dma_wait3A_252, %dma_wait3A_256] : memref<16x128xi32, #tpu.memory_space<vmem>> -> memref<1x128xi32, #tpu.memory_space<vmem>>
      %dma_wait3A_258 = tpu.memref_squeeze %dma_wait3A_257 : memref<1x128xi32, #tpu.memory_space<vmem>> -> memref<128xi32, #tpu.memory_space<vmem>>
      %dma_wait3A_259 = arith.constant 0 : i32
      %dma_wait3A_260 = arith.constant 0 : i32
      %dma_wait3A_261 = tpu.memref_slice %arg7[%dma_wait3A_259, %dma_wait3A_260] : memref<10240x16xf32, #tpu.memory_space<vmem_shared>> -> memref<10240x16xf32, #tpu.memory_space<vmem_shared>>
      tpu.wait_indirect_dma semaphore(%arg8 : memref<!tpu.dma_semaphore, #tpu.memory_space<semaphore_mem>>) src(%dma_wait3A_261 : memref<10240x16xf32, #tpu.memory_space<vmem_shared>>) dst(%dma_wait3A_255 : memref<128x16xf32, #tpu.memory_space<vmem>>)
      %dma_wait3A_262 = arith.constant 9 : i32
      %dma_wait3A_263 = arith.constant 1152 : i32
      %dma_wait3A_264 = arith.constant 0 : i32
      %dma_wait3A_265 = tpu.memref_slice %arg6[%dma_wait3A_263, %dma_wait3A_264] : memref<2048x16xf32, #tpu.memory_space<vmem>> -> memref<128x16xf32, #tpu.memory_space<vmem>>
      %dma_wait3A_266 = arith.constant 0 : i32
      %dma_wait3A_267 = tpu.memref_slice %arg5[%dma_wait3A_262, %dma_wait3A_266] : memref<16x128xi32, #tpu.memory_space<vmem>> -> memref<1x128xi32, #tpu.memory_space<vmem>>
      %dma_wait3A_268 = tpu.memref_squeeze %dma_wait3A_267 : memref<1x128xi32, #tpu.memory_space<vmem>> -> memref<128xi32, #tpu.memory_space<vmem>>
      %dma_wait3A_269 = arith.constant 0 : i32
      %dma_wait3A_270 = arith.constant 0 : i32
      %dma_wait3A_271 = tpu.memref_slice %arg7[%dma_wait3A_269, %dma_wait3A_270] : memref<10240x16xf32, #tpu.memory_space<vmem_shared>> -> memref<10240x16xf32, #tpu.memory_space<vmem_shared>>
      tpu.wait_indirect_dma semaphore(%arg8 : memref<!tpu.dma_semaphore, #tpu.memory_space<semaphore_mem>>) src(%dma_wait3A_271 : memref<10240x16xf32, #tpu.memory_space<vmem_shared>>) dst(%dma_wait3A_265 : memref<128x16xf32, #tpu.memory_space<vmem>>)
      %dma_wait3A_272 = arith.constant 10 : i32
      %dma_wait3A_273 = arith.constant 1280 : i32
      %dma_wait3A_274 = arith.constant 0 : i32
      %dma_wait3A_275 = tpu.memref_slice %arg6[%dma_wait3A_273, %dma_wait3A_274] : memref<2048x16xf32, #tpu.memory_space<vmem>> -> memref<128x16xf32, #tpu.memory_space<vmem>>
      %dma_wait3A_276 = arith.constant 0 : i32
      %dma_wait3A_277 = tpu.memref_slice %arg5[%dma_wait3A_272, %dma_wait3A_276] : memref<16x128xi32, #tpu.memory_space<vmem>> -> memref<1x128xi32, #tpu.memory_space<vmem>>
      %dma_wait3A_278 = tpu.memref_squeeze %dma_wait3A_277 : memref<1x128xi32, #tpu.memory_space<vmem>> -> memref<128xi32, #tpu.memory_space<vmem>>
      %dma_wait3A_279 = arith.constant 0 : i32
      %dma_wait3A_280 = arith.constant 0 : i32
      %dma_wait3A_281 = tpu.memref_slice %arg7[%dma_wait3A_279, %dma_wait3A_280] : memref<10240x16xf32, #tpu.memory_space<vmem_shared>> -> memref<10240x16xf32, #tpu.memory_space<vmem_shared>>
      tpu.wait_indirect_dma semaphore(%arg8 : memref<!tpu.dma_semaphore, #tpu.memory_space<semaphore_mem>>) src(%dma_wait3A_281 : memref<10240x16xf32, #tpu.memory_space<vmem_shared>>) dst(%dma_wait3A_275 : memref<128x16xf32, #tpu.memory_space<vmem>>)
      %dma_wait3A_282 = arith.constant 11 : i32
      %dma_wait3A_283 = arith.constant 1408 : i32
      %dma_wait3A_284 = arith.constant 0 : i32
      %dma_wait3A_285 = tpu.memref_slice %arg6[%dma_wait3A_283, %dma_wait3A_284] : memref<2048x16xf32, #tpu.memory_space<vmem>> -> memref<128x16xf32, #tpu.memory_space<vmem>>
      %dma_wait3A_286 = arith.constant 0 : i32
      %dma_wait3A_287 = tpu.memref_slice %arg5[%dma_wait3A_282, %dma_wait3A_286] : memref<16x128xi32, #tpu.memory_space<vmem>> -> memref<1x128xi32, #tpu.memory_space<vmem>>
      %dma_wait3A_288 = tpu.memref_squeeze %dma_wait3A_287 : memref<1x128xi32, #tpu.memory_space<vmem>> -> memref<128xi32, #tpu.memory_space<vmem>>
      %dma_wait3A_289 = arith.constant 0 : i32
      %dma_wait3A_290 = arith.constant 0 : i32
      %dma_wait3A_291 = tpu.memref_slice %arg7[%dma_wait3A_289, %dma_wait3A_290] : memref<10240x16xf32, #tpu.memory_space<vmem_shared>> -> memref<10240x16xf32, #tpu.memory_space<vmem_shared>>
      tpu.wait_indirect_dma semaphore(%arg8 : memref<!tpu.dma_semaphore, #tpu.memory_space<semaphore_mem>>) src(%dma_wait3A_291 : memref<10240x16xf32, #tpu.memory_space<vmem_shared>>) dst(%dma_wait3A_285 : memref<128x16xf32, #tpu.memory_space<vmem>>)
      %dma_wait3A_292 = arith.constant 12 : i32
      %dma_wait3A_293 = arith.constant 1536 : i32
      %dma_wait3A_294 = arith.constant 0 : i32
      %dma_wait3A_295 = tpu.memref_slice %arg6[%dma_wait3A_293, %dma_wait3A_294] : memref<2048x16xf32, #tpu.memory_space<vmem>> -> memref<128x16xf32, #tpu.memory_space<vmem>>
      %dma_wait3A_296 = arith.constant 0 : i32
      %dma_wait3A_297 = tpu.memref_slice %arg5[%dma_wait3A_292, %dma_wait3A_296] : memref<16x128xi32, #tpu.memory_space<vmem>> -> memref<1x128xi32, #tpu.memory_space<vmem>>
      %dma_wait3A_298 = tpu.memref_squeeze %dma_wait3A_297 : memref<1x128xi32, #tpu.memory_space<vmem>> -> memref<128xi32, #tpu.memory_space<vmem>>
      %dma_wait3A_299 = arith.constant 0 : i32
      %dma_wait3A_300 = arith.constant 0 : i32
      %dma_wait3A_301 = tpu.memref_slice %arg7[%dma_wait3A_299, %dma_wait3A_300] : memref<10240x16xf32, #tpu.memory_space<vmem_shared>> -> memref<10240x16xf32, #tpu.memory_space<vmem_shared>>
      tpu.wait_indirect_dma semaphore(%arg8 : memref<!tpu.dma_semaphore, #tpu.memory_space<semaphore_mem>>) src(%dma_wait3A_301 : memref<10240x16xf32, #tpu.memory_space<vmem_shared>>) dst(%dma_wait3A_295 : memref<128x16xf32, #tpu.memory_space<vmem>>)
      %dma_wait3A_302 = arith.constant 13 : i32
      %dma_wait3A_303 = arith.constant 1664 : i32
      %dma_wait3A_304 = arith.constant 0 : i32
      %dma_wait3A_305 = tpu.memref_slice %arg6[%dma_wait3A_303, %dma_wait3A_304] : memref<2048x16xf32, #tpu.memory_space<vmem>> -> memref<128x16xf32, #tpu.memory_space<vmem>>
      %dma_wait3A_306 = arith.constant 0 : i32
      %dma_wait3A_307 = tpu.memref_slice %arg5[%dma_wait3A_302, %dma_wait3A_306] : memref<16x128xi32, #tpu.memory_space<vmem>> -> memref<1x128xi32, #tpu.memory_space<vmem>>
      %dma_wait3A_308 = tpu.memref_squeeze %dma_wait3A_307 : memref<1x128xi32, #tpu.memory_space<vmem>> -> memref<128xi32, #tpu.memory_space<vmem>>
      %dma_wait3A_309 = arith.constant 0 : i32
      %dma_wait3A_310 = arith.constant 0 : i32
      %dma_wait3A_311 = tpu.memref_slice %arg7[%dma_wait3A_309, %dma_wait3A_310] : memref<10240x16xf32, #tpu.memory_space<vmem_shared>> -> memref<10240x16xf32, #tpu.memory_space<vmem_shared>>
      tpu.wait_indirect_dma semaphore(%arg8 : memref<!tpu.dma_semaphore, #tpu.memory_space<semaphore_mem>>) src(%dma_wait3A_311 : memref<10240x16xf32, #tpu.memory_space<vmem_shared>>) dst(%dma_wait3A_305 : memref<128x16xf32, #tpu.memory_space<vmem>>)
      %dma_wait3A_312 = arith.constant 14 : i32
      %dma_wait3A_313 = arith.constant 1792 : i32
      %dma_wait3A_314 = arith.constant 0 : i32
      %dma_wait3A_315 = tpu.memref_slice %arg6[%dma_wait3A_313, %dma_wait3A_314] : memref<2048x16xf32, #tpu.memory_space<vmem>> -> memref<128x16xf32, #tpu.memory_space<vmem>>
      %dma_wait3A_316 = arith.constant 0 : i32
      %dma_wait3A_317 = tpu.memref_slice %arg5[%dma_wait3A_312, %dma_wait3A_316] : memref<16x128xi32, #tpu.memory_space<vmem>> -> memref<1x128xi32, #tpu.memory_space<vmem>>
      %dma_wait3A_318 = tpu.memref_squeeze %dma_wait3A_317 : memref<1x128xi32, #tpu.memory_space<vmem>> -> memref<128xi32, #tpu.memory_space<vmem>>
      %dma_wait3A_319 = arith.constant 0 : i32
      %dma_wait3A_320 = arith.constant 0 : i32
      %dma_wait3A_321 = tpu.memref_slice %arg7[%dma_wait3A_319, %dma_wait3A_320] : memref<10240x16xf32, #tpu.memory_space<vmem_shared>> -> memref<10240x16xf32, #tpu.memory_space<vmem_shared>>
      tpu.wait_indirect_dma semaphore(%arg8 : memref<!tpu.dma_semaphore, #tpu.memory_space<semaphore_mem>>) src(%dma_wait3A_321 : memref<10240x16xf32, #tpu.memory_space<vmem_shared>>) dst(%dma_wait3A_315 : memref<128x16xf32, #tpu.memory_space<vmem>>)
      %dma_wait3A_322 = arith.constant 15 : i32
      %dma_wait3A_323 = arith.constant 1920 : i32
      %dma_wait3A_324 = arith.constant 0 : i32
      %dma_wait3A_325 = tpu.memref_slice %arg6[%dma_wait3A_323, %dma_wait3A_324] : memref<2048x16xf32, #tpu.memory_space<vmem>> -> memref<128x16xf32, #tpu.memory_space<vmem>>
      %dma_wait3A_326 = arith.constant 0 : i32
      %dma_wait3A_327 = tpu.memref_slice %arg5[%dma_wait3A_322, %dma_wait3A_326] : memref<16x128xi32, #tpu.memory_space<vmem>> -> memref<1x128xi32, #tpu.memory_space<vmem>>
      %dma_wait3A_328 = tpu.memref_squeeze %dma_wait3A_327 : memref<1x128xi32, #tpu.memory_space<vmem>> -> memref<128xi32, #tpu.memory_space<vmem>>
      %dma_wait3A_329 = arith.constant 0 : i32
      %dma_wait3A_330 = arith.constant 0 : i32
      %dma_wait3A_331 = tpu.memref_slice %arg7[%dma_wait3A_329, %dma_wait3A_330] : memref<10240x16xf32, #tpu.memory_space<vmem_shared>> -> memref<10240x16xf32, #tpu.memory_space<vmem_shared>>
      tpu.wait_indirect_dma semaphore(%arg8 : memref<!tpu.dma_semaphore, #tpu.memory_space<semaphore_mem>>) src(%dma_wait3A_331 : memref<10240x16xf32, #tpu.memory_space<vmem_shared>>) dst(%dma_wait3A_325 : memref<128x16xf32, #tpu.memory_space<vmem>>)
      %mul3A_332 = arith.constant 128 : i32
      %mul3A_333 = arith.muli %add3A_13, %mul3A_332 : i32
      "tpu.region"() ({
        %run_scoped3A = tpu.sem_alloc : memref<!tpu.dma_semaphore, #tpu.memory_space<semaphore_mem>>
        %dma_start3A_334 = arith.constant 0 : i32
        %dma_start3A_335 = tpu.memref_slice %arg4[%mul3A_333, %dma_start3A_334] : memref<327680x16xf32, #tpu.memory_space<hbm>> -> memref<2048x16xf32, #tpu.memory_space<hbm>>
        %dma_start3A_336 = arith.constant 0 : i32
        %dma_start3A_337 = tpu.memref_slice %arg4[%mul3A_333, %dma_start3A_336] : memref<327680x16xf32, #tpu.memory_space<hbm>> -> memref<2048x16xf32, #tpu.memory_space<hbm>>
        tpu.enqueue_dma source(%arg6 : memref<2048x16xf32, #tpu.memory_space<vmem>>) target(%dma_start3A_337 : memref<2048x16xf32, #tpu.memory_space<hbm>>) target_semaphore(%run_scoped3A : memref<!tpu.dma_semaphore, #tpu.memory_space<semaphore_mem>>)
        %dma_wait3A_338 = arith.constant 0 : i32
        %dma_wait3A_339 = tpu.memref_slice %arg4[%mul3A_333, %dma_wait3A_338] : memref<327680x16xf32, #tpu.memory_space<hbm>> -> memref<2048x16xf32, #tpu.memory_space<hbm>>
        %dma_wait3A_340 = arith.constant 0 : i32
        %dma_wait3A_341 = tpu.memref_slice %arg4[%mul3A_333, %dma_wait3A_340] : memref<327680x16xf32, #tpu.memory_space<hbm>> -> memref<2048x16xf32, #tpu.memory_space<hbm>>
        tpu.wait_dma2 semaphore(%run_scoped3A : memref<!tpu.dma_semaphore, #tpu.memory_space<semaphore_mem>>) src(%arg6 : memref<2048x16xf32, #tpu.memory_space<vmem>>) dst(%dma_wait3A_341 : memref<2048x16xf32, #tpu.memory_space<hbm>>)
        tpu.yield
      }) : () -> ()
    }
    %scan3A_7 = arith.constant 5 : i32
    return
  }
}

#map = affine_map<(d0, d1) -> (0, 0)>
#map1 = affine_map<(d0, d1) -> (0, 0, 0)>
module attributes {stable_mosaic.version = 14 : i64} {
  func.func @_sc_scatter(%arg0: i32, %arg1: i32, %arg2: memref<327680x16xf32, #tpu.memory_space<hbm>>, %arg3: memref<2560x128xi32, #tpu.memory_space<hbm>>, %arg4: memref<10240x16xf32, #tpu.memory_space<hbm>>, %arg5: memref<2x10240x16xf32, #tpu.memory_space<hbm>>, %arg6: memref<16x128xi32, #tpu.memory_space<vmem>>, %arg7: memref<2048x16xf32, #tpu.memory_space<vmem>>, %arg8: memref<10240x16xf32, #tpu.memory_space<vmem_shared>>, %arg9: memref<!tpu.dma_semaphore, #tpu.memory_space<semaphore_mem>>) attributes {dimension_semantics = [#tpu.dimension_semantics<core_parallel>, #tpu.dimension_semantics<subcore_parallel>], iteration_bounds = array<i64: 2, 16>, scalar_prefetch = 0 : i64, scratch_operands = 4 : i64, tpu.core_type = #tpu.core_type<sc_vector_subcore>, window_params = [{transform_indices = #map}, {transform_indices = #map}, {transform_indices = #map}, {transform_indices = #map1}]} {
    %mul3A = arith.constant 2 : i32
    %mul3A_0 = arith.muli %arg1, %mul3A : i32
    %add3A = arith.addi %mul3A_0, %arg0 : i32
    %eq3A = arith.constant 0 : i32
    %eq3A_1 = arith.cmpi eq, %arg1, %eq3A : i32
    %convert_element_type3A = arith.extui %eq3A_1 : i1 to i32
    %cond3A = arith.constant 0 : i32
    %cond3A_2 = arith.cmpi ne, %convert_element_type3A, %cond3A : i32
    scf.if %cond3A_2 {
      "tpu.region"() ({
        %run_scoped3A = tpu.sem_alloc : memref<!tpu.dma_semaphore, #tpu.memory_space<semaphore_mem>>
        tpu.enqueue_dma source(%arg4 : memref<10240x16xf32, #tpu.memory_space<hbm>>) target(%arg8 : memref<10240x16xf32, #tpu.memory_space<vmem_shared>>) target_semaphore(%run_scoped3A : memref<!tpu.dma_semaphore, #tpu.memory_space<semaphore_mem>>)
        tpu.wait_dma2 semaphore(%run_scoped3A : memref<!tpu.dma_semaphore, #tpu.memory_space<semaphore_mem>>) src(%arg4 : memref<10240x16xf32, #tpu.memory_space<hbm>>) dst(%arg8 : memref<10240x16xf32, #tpu.memory_space<vmem_shared>>)
        tpu.yield
      }) : () -> ()
    } else {
    }
    %barrier3A = arith.constant 0 : index
    tpu.barrier barrier_id(%barrier3A)
    %scan3A = arith.constant 0 : i32
    %scan3A_3 = arith.constant 0 : i32
    %scan3A_4 = arith.constant 5 : i32
    %scan3A_5 = arith.addi %scan3A_3, %scan3A_4 : i32
    %scan3A_6 = arith.constant 1 : i32
    scf.for %scan3A_13 = %scan3A_3 to %scan3A_5 step %scan3A_6  : i32 {
      %mul3A_14 = arith.constant 80 : i32
      %mul3A_15 = arith.muli %add3A, %mul3A_14 : i32
      %mul3A_16 = arith.constant 16 : i32
      %mul3A_17 = arith.muli %scan3A_13, %mul3A_16 : i32
      %add3A_18 = arith.addi %mul3A_15, %mul3A_17 : i32
      "tpu.region"() ({
        %run_scoped3A_36 = tpu.sem_alloc : memref<!tpu.dma_semaphore, #tpu.memory_space<semaphore_mem>>
        %dma_start3A = arith.constant 0 : i32
        %dma_start3A_37 = tpu.memref_slice %arg3[%add3A_18, %dma_start3A] : memref<2560x128xi32, #tpu.memory_space<hbm>> -> memref<16x128xi32, #tpu.memory_space<hbm>>
        %dma_start3A_38 = arith.constant 0 : i32
        %dma_start3A_39 = tpu.memref_slice %arg3[%add3A_18, %dma_start3A_38] : memref<2560x128xi32, #tpu.memory_space<hbm>> -> memref<16x128xi32, #tpu.memory_space<hbm>>
        tpu.enqueue_dma source(%dma_start3A_39 : memref<16x128xi32, #tpu.memory_space<hbm>>) target(%arg6 : memref<16x128xi32, #tpu.memory_space<vmem>>) target_semaphore(%run_scoped3A_36 : memref<!tpu.dma_semaphore, #tpu.memory_space<semaphore_mem>>)
        %dma_wait3A = arith.constant 0 : i32
        %dma_wait3A_40 = tpu.memref_slice %arg3[%add3A_18, %dma_wait3A] : memref<2560x128xi32, #tpu.memory_space<hbm>> -> memref<16x128xi32, #tpu.memory_space<hbm>>
        %dma_wait3A_41 = arith.constant 0 : i32
        %dma_wait3A_42 = tpu.memref_slice %arg3[%add3A_18, %dma_wait3A_41] : memref<2560x128xi32, #tpu.memory_space<hbm>> -> memref<16x128xi32, #tpu.memory_space<hbm>>
        tpu.wait_dma2 semaphore(%run_scoped3A_36 : memref<!tpu.dma_semaphore, #tpu.memory_space<semaphore_mem>>) src(%dma_wait3A_42 : memref<16x128xi32, #tpu.memory_space<hbm>>) dst(%arg6 : memref<16x128xi32, #tpu.memory_space<vmem>>)
        tpu.yield
      }) : () -> ()
      %mul3A_19 = arith.constant 128 : i32
      %mul3A_20 = arith.muli %add3A_18, %mul3A_19 : i32
      "tpu.region"() ({
        %run_scoped3A_36 = tpu.sem_alloc : memref<!tpu.dma_semaphore, #tpu.memory_space<semaphore_mem>>
        %dma_start3A = arith.constant 0 : i32
        %dma_start3A_37 = tpu.memref_slice %arg2[%mul3A_20, %dma_start3A] : memref<327680x16xf32, #tpu.memory_space<hbm>> -> memref<2048x16xf32, #tpu.memory_space<hbm>>
        %dma_start3A_38 = arith.constant 0 : i32
        %dma_start3A_39 = tpu.memref_slice %arg2[%mul3A_20, %dma_start3A_38] : memref<327680x16xf32, #tpu.memory_space<hbm>> -> memref<2048x16xf32, #tpu.memory_space<hbm>>
        tpu.enqueue_dma source(%dma_start3A_39 : memref<2048x16xf32, #tpu.memory_space<hbm>>) target(%arg7 : memref<2048x16xf32, #tpu.memory_space<vmem>>) target_semaphore(%run_scoped3A_36 : memref<!tpu.dma_semaphore, #tpu.memory_space<semaphore_mem>>)
        %dma_wait3A = arith.constant 0 : i32
        %dma_wait3A_40 = tpu.memref_slice %arg2[%mul3A_20, %dma_wait3A] : memref<327680x16xf32, #tpu.memory_space<hbm>> -> memref<2048x16xf32, #tpu.memory_space<hbm>>
        %dma_wait3A_41 = arith.constant 0 : i32
        %dma_wait3A_42 = tpu.memref_slice %arg2[%mul3A_20, %dma_wait3A_41] : memref<327680x16xf32, #tpu.memory_space<hbm>> -> memref<2048x16xf32, #tpu.memory_space<hbm>>
        tpu.wait_dma2 semaphore(%run_scoped3A_36 : memref<!tpu.dma_semaphore, #tpu.memory_space<semaphore_mem>>) src(%dma_wait3A_42 : memref<2048x16xf32, #tpu.memory_space<hbm>>) dst(%arg7 : memref<2048x16xf32, #tpu.memory_space<vmem>>)
        tpu.yield
      }) : () -> ()
      %run_scoped3A = arith.constant 0 : i32
      "tpu.region"() ({
        %run_scoped3A_36 = tpu.sem_alloc : memref<!tpu.dma_semaphore, #tpu.memory_space<semaphore_mem>>
        %dma_start3A = arith.constant 0 : i32
        %dma_start3A_37 = arith.constant 0 : i32
        %dma_start3A_38 = tpu.memref_slice %arg7[%dma_start3A, %dma_start3A_37] : memref<2048x16xf32, #tpu.memory_space<vmem>> -> memref<128x16xf32, #tpu.memory_space<vmem>>
        %dma_start3A_39 = arith.constant 0 : i32
        %dma_start3A_40 = tpu.memref_slice %arg6[%run_scoped3A, %dma_start3A_39] : memref<16x128xi32, #tpu.memory_space<vmem>> -> memref<1x128xi32, #tpu.memory_space<vmem>>
        %dma_start3A_41 = tpu.memref_squeeze %dma_start3A_40 : memref<1x128xi32, #tpu.memory_space<vmem>> -> memref<128xi32, #tpu.memory_space<vmem>>
        %dma_start3A_42 = arith.constant 0 : i32
        %dma_start3A_43 = arith.constant 0 : i32
        %dma_start3A_44 = tpu.memref_slice %arg8[%dma_start3A_42, %dma_start3A_43] : memref<10240x16xf32, #tpu.memory_space<vmem_shared>> -> memref<10240x16xf32, #tpu.memory_space<vmem_shared>>
        tpu.enqueue_indirect_dma source(%dma_start3A_38 : memref<128x16xf32, #tpu.memory_space<vmem>>) target(%dma_start3A_44 : memref<10240x16xf32, #tpu.memory_space<vmem_shared>>) offsets(%dma_start3A_41 : memref<128xi32, #tpu.memory_space<vmem>>) semaphore(%run_scoped3A_36 : memref<!tpu.dma_semaphore, #tpu.memory_space<semaphore_mem>>) {add = true}
        %dma_wait3A = arith.constant 0 : i32
        %dma_wait3A_45 = arith.constant 0 : i32
        %dma_wait3A_46 = tpu.memref_slice %arg7[%dma_wait3A, %dma_wait3A_45] : memref<2048x16xf32, #tpu.memory_space<vmem>> -> memref<128x16xf32, #tpu.memory_space<vmem>>
        %dma_wait3A_47 = arith.constant 0 : i32
        %dma_wait3A_48 = tpu.memref_slice %arg6[%run_scoped3A, %dma_wait3A_47] : memref<16x128xi32, #tpu.memory_space<vmem>> -> memref<1x128xi32, #tpu.memory_space<vmem>>
        %dma_wait3A_49 = tpu.memref_squeeze %dma_wait3A_48 : memref<1x128xi32, #tpu.memory_space<vmem>> -> memref<128xi32, #tpu.memory_space<vmem>>
        %dma_wait3A_50 = arith.constant 0 : i32
        %dma_wait3A_51 = arith.constant 0 : i32
        %dma_wait3A_52 = tpu.memref_slice %arg8[%dma_wait3A_50, %dma_wait3A_51] : memref<10240x16xf32, #tpu.memory_space<vmem_shared>> -> memref<10240x16xf32, #tpu.memory_space<vmem_shared>>
        tpu.wait_indirect_dma semaphore(%run_scoped3A_36 : memref<!tpu.dma_semaphore, #tpu.memory_space<semaphore_mem>>) src(%dma_wait3A_46 : memref<128x16xf32, #tpu.memory_space<vmem>>) dst(%dma_wait3A_52 : memref<10240x16xf32, #tpu.memory_space<vmem_shared>>)
        tpu.yield
      }) : () -> ()
      %run_scoped3A_21 = arith.constant 1 : i32
      "tpu.region"() ({
        %run_scoped3A_36 = tpu.sem_alloc : memref<!tpu.dma_semaphore, #tpu.memory_space<semaphore_mem>>
        %dma_start3A = arith.constant 128 : i32
        %dma_start3A_37 = arith.constant 0 : i32
        %dma_start3A_38 = tpu.memref_slice %arg7[%dma_start3A, %dma_start3A_37] : memref<2048x16xf32, #tpu.memory_space<vmem>> -> memref<128x16xf32, #tpu.memory_space<vmem>>
        %dma_start3A_39 = arith.constant 0 : i32
        %dma_start3A_40 = tpu.memref_slice %arg6[%run_scoped3A_21, %dma_start3A_39] : memref<16x128xi32, #tpu.memory_space<vmem>> -> memref<1x128xi32, #tpu.memory_space<vmem>>
        %dma_start3A_41 = tpu.memref_squeeze %dma_start3A_40 : memref<1x128xi32, #tpu.memory_space<vmem>> -> memref<128xi32, #tpu.memory_space<vmem>>
        %dma_start3A_42 = arith.constant 0 : i32
        %dma_start3A_43 = arith.constant 0 : i32
        %dma_start3A_44 = tpu.memref_slice %arg8[%dma_start3A_42, %dma_start3A_43] : memref<10240x16xf32, #tpu.memory_space<vmem_shared>> -> memref<10240x16xf32, #tpu.memory_space<vmem_shared>>
        tpu.enqueue_indirect_dma source(%dma_start3A_38 : memref<128x16xf32, #tpu.memory_space<vmem>>) target(%dma_start3A_44 : memref<10240x16xf32, #tpu.memory_space<vmem_shared>>) offsets(%dma_start3A_41 : memref<128xi32, #tpu.memory_space<vmem>>) semaphore(%run_scoped3A_36 : memref<!tpu.dma_semaphore, #tpu.memory_space<semaphore_mem>>) {add = true}
        %dma_wait3A = arith.constant 128 : i32
        %dma_wait3A_45 = arith.constant 0 : i32
        %dma_wait3A_46 = tpu.memref_slice %arg7[%dma_wait3A, %dma_wait3A_45] : memref<2048x16xf32, #tpu.memory_space<vmem>> -> memref<128x16xf32, #tpu.memory_space<vmem>>
        %dma_wait3A_47 = arith.constant 0 : i32
        %dma_wait3A_48 = tpu.memref_slice %arg6[%run_scoped3A_21, %dma_wait3A_47] : memref<16x128xi32, #tpu.memory_space<vmem>> -> memref<1x128xi32, #tpu.memory_space<vmem>>
        %dma_wait3A_49 = tpu.memref_squeeze %dma_wait3A_48 : memref<1x128xi32, #tpu.memory_space<vmem>> -> memref<128xi32, #tpu.memory_space<vmem>>
        %dma_wait3A_50 = arith.constant 0 : i32
        %dma_wait3A_51 = arith.constant 0 : i32
        %dma_wait3A_52 = tpu.memref_slice %arg8[%dma_wait3A_50, %dma_wait3A_51] : memref<10240x16xf32, #tpu.memory_space<vmem_shared>> -> memref<10240x16xf32, #tpu.memory_space<vmem_shared>>
        tpu.wait_indirect_dma semaphore(%run_scoped3A_36 : memref<!tpu.dma_semaphore, #tpu.memory_space<semaphore_mem>>) src(%dma_wait3A_46 : memref<128x16xf32, #tpu.memory_space<vmem>>) dst(%dma_wait3A_52 : memref<10240x16xf32, #tpu.memory_space<vmem_shared>>)
        tpu.yield
      }) : () -> ()
      %run_scoped3A_22 = arith.constant 2 : i32
      "tpu.region"() ({
        %run_scoped3A_36 = tpu.sem_alloc : memref<!tpu.dma_semaphore, #tpu.memory_space<semaphore_mem>>
        %dma_start3A = arith.constant 256 : i32
        %dma_start3A_37 = arith.constant 0 : i32
        %dma_start3A_38 = tpu.memref_slice %arg7[%dma_start3A, %dma_start3A_37] : memref<2048x16xf32, #tpu.memory_space<vmem>> -> memref<128x16xf32, #tpu.memory_space<vmem>>
        %dma_start3A_39 = arith.constant 0 : i32
        %dma_start3A_40 = tpu.memref_slice %arg6[%run_scoped3A_22, %dma_start3A_39] : memref<16x128xi32, #tpu.memory_space<vmem>> -> memref<1x128xi32, #tpu.memory_space<vmem>>
        %dma_start3A_41 = tpu.memref_squeeze %dma_start3A_40 : memref<1x128xi32, #tpu.memory_space<vmem>> -> memref<128xi32, #tpu.memory_space<vmem>>
        %dma_start3A_42 = arith.constant 0 : i32
        %dma_start3A_43 = arith.constant 0 : i32
        %dma_start3A_44 = tpu.memref_slice %arg8[%dma_start3A_42, %dma_start3A_43] : memref<10240x16xf32, #tpu.memory_space<vmem_shared>> -> memref<10240x16xf32, #tpu.memory_space<vmem_shared>>
        tpu.enqueue_indirect_dma source(%dma_start3A_38 : memref<128x16xf32, #tpu.memory_space<vmem>>) target(%dma_start3A_44 : memref<10240x16xf32, #tpu.memory_space<vmem_shared>>) offsets(%dma_start3A_41 : memref<128xi32, #tpu.memory_space<vmem>>) semaphore(%run_scoped3A_36 : memref<!tpu.dma_semaphore, #tpu.memory_space<semaphore_mem>>) {add = true}
        %dma_wait3A = arith.constant 256 : i32
        %dma_wait3A_45 = arith.constant 0 : i32
        %dma_wait3A_46 = tpu.memref_slice %arg7[%dma_wait3A, %dma_wait3A_45] : memref<2048x16xf32, #tpu.memory_space<vmem>> -> memref<128x16xf32, #tpu.memory_space<vmem>>
        %dma_wait3A_47 = arith.constant 0 : i32
        %dma_wait3A_48 = tpu.memref_slice %arg6[%run_scoped3A_22, %dma_wait3A_47] : memref<16x128xi32, #tpu.memory_space<vmem>> -> memref<1x128xi32, #tpu.memory_space<vmem>>
        %dma_wait3A_49 = tpu.memref_squeeze %dma_wait3A_48 : memref<1x128xi32, #tpu.memory_space<vmem>> -> memref<128xi32, #tpu.memory_space<vmem>>
        %dma_wait3A_50 = arith.constant 0 : i32
        %dma_wait3A_51 = arith.constant 0 : i32
        %dma_wait3A_52 = tpu.memref_slice %arg8[%dma_wait3A_50, %dma_wait3A_51] : memref<10240x16xf32, #tpu.memory_space<vmem_shared>> -> memref<10240x16xf32, #tpu.memory_space<vmem_shared>>
        tpu.wait_indirect_dma semaphore(%run_scoped3A_36 : memref<!tpu.dma_semaphore, #tpu.memory_space<semaphore_mem>>) src(%dma_wait3A_46 : memref<128x16xf32, #tpu.memory_space<vmem>>) dst(%dma_wait3A_52 : memref<10240x16xf32, #tpu.memory_space<vmem_shared>>)
        tpu.yield
      }) : () -> ()
      %run_scoped3A_23 = arith.constant 3 : i32
      "tpu.region"() ({
        %run_scoped3A_36 = tpu.sem_alloc : memref<!tpu.dma_semaphore, #tpu.memory_space<semaphore_mem>>
        %dma_start3A = arith.constant 384 : i32
        %dma_start3A_37 = arith.constant 0 : i32
        %dma_start3A_38 = tpu.memref_slice %arg7[%dma_start3A, %dma_start3A_37] : memref<2048x16xf32, #tpu.memory_space<vmem>> -> memref<128x16xf32, #tpu.memory_space<vmem>>
        %dma_start3A_39 = arith.constant 0 : i32
        %dma_start3A_40 = tpu.memref_slice %arg6[%run_scoped3A_23, %dma_start3A_39] : memref<16x128xi32, #tpu.memory_space<vmem>> -> memref<1x128xi32, #tpu.memory_space<vmem>>
        %dma_start3A_41 = tpu.memref_squeeze %dma_start3A_40 : memref<1x128xi32, #tpu.memory_space<vmem>> -> memref<128xi32, #tpu.memory_space<vmem>>
        %dma_start3A_42 = arith.constant 0 : i32
        %dma_start3A_43 = arith.constant 0 : i32
        %dma_start3A_44 = tpu.memref_slice %arg8[%dma_start3A_42, %dma_start3A_43] : memref<10240x16xf32, #tpu.memory_space<vmem_shared>> -> memref<10240x16xf32, #tpu.memory_space<vmem_shared>>
        tpu.enqueue_indirect_dma source(%dma_start3A_38 : memref<128x16xf32, #tpu.memory_space<vmem>>) target(%dma_start3A_44 : memref<10240x16xf32, #tpu.memory_space<vmem_shared>>) offsets(%dma_start3A_41 : memref<128xi32, #tpu.memory_space<vmem>>) semaphore(%run_scoped3A_36 : memref<!tpu.dma_semaphore, #tpu.memory_space<semaphore_mem>>) {add = true}
        %dma_wait3A = arith.constant 384 : i32
        %dma_wait3A_45 = arith.constant 0 : i32
        %dma_wait3A_46 = tpu.memref_slice %arg7[%dma_wait3A, %dma_wait3A_45] : memref<2048x16xf32, #tpu.memory_space<vmem>> -> memref<128x16xf32, #tpu.memory_space<vmem>>
        %dma_wait3A_47 = arith.constant 0 : i32
        %dma_wait3A_48 = tpu.memref_slice %arg6[%run_scoped3A_23, %dma_wait3A_47] : memref<16x128xi32, #tpu.memory_space<vmem>> -> memref<1x128xi32, #tpu.memory_space<vmem>>
        %dma_wait3A_49 = tpu.memref_squeeze %dma_wait3A_48 : memref<1x128xi32, #tpu.memory_space<vmem>> -> memref<128xi32, #tpu.memory_space<vmem>>
        %dma_wait3A_50 = arith.constant 0 : i32
        %dma_wait3A_51 = arith.constant 0 : i32
        %dma_wait3A_52 = tpu.memref_slice %arg8[%dma_wait3A_50, %dma_wait3A_51] : memref<10240x16xf32, #tpu.memory_space<vmem_shared>> -> memref<10240x16xf32, #tpu.memory_space<vmem_shared>>
        tpu.wait_indirect_dma semaphore(%run_scoped3A_36 : memref<!tpu.dma_semaphore, #tpu.memory_space<semaphore_mem>>) src(%dma_wait3A_46 : memref<128x16xf32, #tpu.memory_space<vmem>>) dst(%dma_wait3A_52 : memref<10240x16xf32, #tpu.memory_space<vmem_shared>>)
        tpu.yield
      }) : () -> ()
      %run_scoped3A_24 = arith.constant 4 : i32
      "tpu.region"() ({
        %run_scoped3A_36 = tpu.sem_alloc : memref<!tpu.dma_semaphore, #tpu.memory_space<semaphore_mem>>
        %dma_start3A = arith.constant 512 : i32
        %dma_start3A_37 = arith.constant 0 : i32
        %dma_start3A_38 = tpu.memref_slice %arg7[%dma_start3A, %dma_start3A_37] : memref<2048x16xf32, #tpu.memory_space<vmem>> -> memref<128x16xf32, #tpu.memory_space<vmem>>
        %dma_start3A_39 = arith.constant 0 : i32
        %dma_start3A_40 = tpu.memref_slice %arg6[%run_scoped3A_24, %dma_start3A_39] : memref<16x128xi32, #tpu.memory_space<vmem>> -> memref<1x128xi32, #tpu.memory_space<vmem>>
        %dma_start3A_41 = tpu.memref_squeeze %dma_start3A_40 : memref<1x128xi32, #tpu.memory_space<vmem>> -> memref<128xi32, #tpu.memory_space<vmem>>
        %dma_start3A_42 = arith.constant 0 : i32
        %dma_start3A_43 = arith.constant 0 : i32
        %dma_start3A_44 = tpu.memref_slice %arg8[%dma_start3A_42, %dma_start3A_43] : memref<10240x16xf32, #tpu.memory_space<vmem_shared>> -> memref<10240x16xf32, #tpu.memory_space<vmem_shared>>
        tpu.enqueue_indirect_dma source(%dma_start3A_38 : memref<128x16xf32, #tpu.memory_space<vmem>>) target(%dma_start3A_44 : memref<10240x16xf32, #tpu.memory_space<vmem_shared>>) offsets(%dma_start3A_41 : memref<128xi32, #tpu.memory_space<vmem>>) semaphore(%run_scoped3A_36 : memref<!tpu.dma_semaphore, #tpu.memory_space<semaphore_mem>>) {add = true}
        %dma_wait3A = arith.constant 512 : i32
        %dma_wait3A_45 = arith.constant 0 : i32
        %dma_wait3A_46 = tpu.memref_slice %arg7[%dma_wait3A, %dma_wait3A_45] : memref<2048x16xf32, #tpu.memory_space<vmem>> -> memref<128x16xf32, #tpu.memory_space<vmem>>
        %dma_wait3A_47 = arith.constant 0 : i32
        %dma_wait3A_48 = tpu.memref_slice %arg6[%run_scoped3A_24, %dma_wait3A_47] : memref<16x128xi32, #tpu.memory_space<vmem>> -> memref<1x128xi32, #tpu.memory_space<vmem>>
        %dma_wait3A_49 = tpu.memref_squeeze %dma_wait3A_48 : memref<1x128xi32, #tpu.memory_space<vmem>> -> memref<128xi32, #tpu.memory_space<vmem>>
        %dma_wait3A_50 = arith.constant 0 : i32
        %dma_wait3A_51 = arith.constant 0 : i32
        %dma_wait3A_52 = tpu.memref_slice %arg8[%dma_wait3A_50, %dma_wait3A_51] : memref<10240x16xf32, #tpu.memory_space<vmem_shared>> -> memref<10240x16xf32, #tpu.memory_space<vmem_shared>>
        tpu.wait_indirect_dma semaphore(%run_scoped3A_36 : memref<!tpu.dma_semaphore, #tpu.memory_space<semaphore_mem>>) src(%dma_wait3A_46 : memref<128x16xf32, #tpu.memory_space<vmem>>) dst(%dma_wait3A_52 : memref<10240x16xf32, #tpu.memory_space<vmem_shared>>)
        tpu.yield
      }) : () -> ()
      %run_scoped3A_25 = arith.constant 5 : i32
      "tpu.region"() ({
        %run_scoped3A_36 = tpu.sem_alloc : memref<!tpu.dma_semaphore, #tpu.memory_space<semaphore_mem>>
        %dma_start3A = arith.constant 640 : i32
        %dma_start3A_37 = arith.constant 0 : i32
        %dma_start3A_38 = tpu.memref_slice %arg7[%dma_start3A, %dma_start3A_37] : memref<2048x16xf32, #tpu.memory_space<vmem>> -> memref<128x16xf32, #tpu.memory_space<vmem>>
        %dma_start3A_39 = arith.constant 0 : i32
        %dma_start3A_40 = tpu.memref_slice %arg6[%run_scoped3A_25, %dma_start3A_39] : memref<16x128xi32, #tpu.memory_space<vmem>> -> memref<1x128xi32, #tpu.memory_space<vmem>>
        %dma_start3A_41 = tpu.memref_squeeze %dma_start3A_40 : memref<1x128xi32, #tpu.memory_space<vmem>> -> memref<128xi32, #tpu.memory_space<vmem>>
        %dma_start3A_42 = arith.constant 0 : i32
        %dma_start3A_43 = arith.constant 0 : i32
        %dma_start3A_44 = tpu.memref_slice %arg8[%dma_start3A_42, %dma_start3A_43] : memref<10240x16xf32, #tpu.memory_space<vmem_shared>> -> memref<10240x16xf32, #tpu.memory_space<vmem_shared>>
        tpu.enqueue_indirect_dma source(%dma_start3A_38 : memref<128x16xf32, #tpu.memory_space<vmem>>) target(%dma_start3A_44 : memref<10240x16xf32, #tpu.memory_space<vmem_shared>>) offsets(%dma_start3A_41 : memref<128xi32, #tpu.memory_space<vmem>>) semaphore(%run_scoped3A_36 : memref<!tpu.dma_semaphore, #tpu.memory_space<semaphore_mem>>) {add = true}
        %dma_wait3A = arith.constant 640 : i32
        %dma_wait3A_45 = arith.constant 0 : i32
        %dma_wait3A_46 = tpu.memref_slice %arg7[%dma_wait3A, %dma_wait3A_45] : memref<2048x16xf32, #tpu.memory_space<vmem>> -> memref<128x16xf32, #tpu.memory_space<vmem>>
        %dma_wait3A_47 = arith.constant 0 : i32
        %dma_wait3A_48 = tpu.memref_slice %arg6[%run_scoped3A_25, %dma_wait3A_47] : memref<16x128xi32, #tpu.memory_space<vmem>> -> memref<1x128xi32, #tpu.memory_space<vmem>>
        %dma_wait3A_49 = tpu.memref_squeeze %dma_wait3A_48 : memref<1x128xi32, #tpu.memory_space<vmem>> -> memref<128xi32, #tpu.memory_space<vmem>>
        %dma_wait3A_50 = arith.constant 0 : i32
        %dma_wait3A_51 = arith.constant 0 : i32
        %dma_wait3A_52 = tpu.memref_slice %arg8[%dma_wait3A_50, %dma_wait3A_51] : memref<10240x16xf32, #tpu.memory_space<vmem_shared>> -> memref<10240x16xf32, #tpu.memory_space<vmem_shared>>
        tpu.wait_indirect_dma semaphore(%run_scoped3A_36 : memref<!tpu.dma_semaphore, #tpu.memory_space<semaphore_mem>>) src(%dma_wait3A_46 : memref<128x16xf32, #tpu.memory_space<vmem>>) dst(%dma_wait3A_52 : memref<10240x16xf32, #tpu.memory_space<vmem_shared>>)
        tpu.yield
      }) : () -> ()
      %run_scoped3A_26 = arith.constant 6 : i32
      "tpu.region"() ({
        %run_scoped3A_36 = tpu.sem_alloc : memref<!tpu.dma_semaphore, #tpu.memory_space<semaphore_mem>>
        %dma_start3A = arith.constant 768 : i32
        %dma_start3A_37 = arith.constant 0 : i32
        %dma_start3A_38 = tpu.memref_slice %arg7[%dma_start3A, %dma_start3A_37] : memref<2048x16xf32, #tpu.memory_space<vmem>> -> memref<128x16xf32, #tpu.memory_space<vmem>>
        %dma_start3A_39 = arith.constant 0 : i32
        %dma_start3A_40 = tpu.memref_slice %arg6[%run_scoped3A_26, %dma_start3A_39] : memref<16x128xi32, #tpu.memory_space<vmem>> -> memref<1x128xi32, #tpu.memory_space<vmem>>
        %dma_start3A_41 = tpu.memref_squeeze %dma_start3A_40 : memref<1x128xi32, #tpu.memory_space<vmem>> -> memref<128xi32, #tpu.memory_space<vmem>>
        %dma_start3A_42 = arith.constant 0 : i32
        %dma_start3A_43 = arith.constant 0 : i32
        %dma_start3A_44 = tpu.memref_slice %arg8[%dma_start3A_42, %dma_start3A_43] : memref<10240x16xf32, #tpu.memory_space<vmem_shared>> -> memref<10240x16xf32, #tpu.memory_space<vmem_shared>>
        tpu.enqueue_indirect_dma source(%dma_start3A_38 : memref<128x16xf32, #tpu.memory_space<vmem>>) target(%dma_start3A_44 : memref<10240x16xf32, #tpu.memory_space<vmem_shared>>) offsets(%dma_start3A_41 : memref<128xi32, #tpu.memory_space<vmem>>) semaphore(%run_scoped3A_36 : memref<!tpu.dma_semaphore, #tpu.memory_space<semaphore_mem>>) {add = true}
        %dma_wait3A = arith.constant 768 : i32
        %dma_wait3A_45 = arith.constant 0 : i32
        %dma_wait3A_46 = tpu.memref_slice %arg7[%dma_wait3A, %dma_wait3A_45] : memref<2048x16xf32, #tpu.memory_space<vmem>> -> memref<128x16xf32, #tpu.memory_space<vmem>>
        %dma_wait3A_47 = arith.constant 0 : i32
        %dma_wait3A_48 = tpu.memref_slice %arg6[%run_scoped3A_26, %dma_wait3A_47] : memref<16x128xi32, #tpu.memory_space<vmem>> -> memref<1x128xi32, #tpu.memory_space<vmem>>
        %dma_wait3A_49 = tpu.memref_squeeze %dma_wait3A_48 : memref<1x128xi32, #tpu.memory_space<vmem>> -> memref<128xi32, #tpu.memory_space<vmem>>
        %dma_wait3A_50 = arith.constant 0 : i32
        %dma_wait3A_51 = arith.constant 0 : i32
        %dma_wait3A_52 = tpu.memref_slice %arg8[%dma_wait3A_50, %dma_wait3A_51] : memref<10240x16xf32, #tpu.memory_space<vmem_shared>> -> memref<10240x16xf32, #tpu.memory_space<vmem_shared>>
        tpu.wait_indirect_dma semaphore(%run_scoped3A_36 : memref<!tpu.dma_semaphore, #tpu.memory_space<semaphore_mem>>) src(%dma_wait3A_46 : memref<128x16xf32, #tpu.memory_space<vmem>>) dst(%dma_wait3A_52 : memref<10240x16xf32, #tpu.memory_space<vmem_shared>>)
        tpu.yield
      }) : () -> ()
      %run_scoped3A_27 = arith.constant 7 : i32
      "tpu.region"() ({
        %run_scoped3A_36 = tpu.sem_alloc : memref<!tpu.dma_semaphore, #tpu.memory_space<semaphore_mem>>
        %dma_start3A = arith.constant 896 : i32
        %dma_start3A_37 = arith.constant 0 : i32
        %dma_start3A_38 = tpu.memref_slice %arg7[%dma_start3A, %dma_start3A_37] : memref<2048x16xf32, #tpu.memory_space<vmem>> -> memref<128x16xf32, #tpu.memory_space<vmem>>
        %dma_start3A_39 = arith.constant 0 : i32
        %dma_start3A_40 = tpu.memref_slice %arg6[%run_scoped3A_27, %dma_start3A_39] : memref<16x128xi32, #tpu.memory_space<vmem>> -> memref<1x128xi32, #tpu.memory_space<vmem>>
        %dma_start3A_41 = tpu.memref_squeeze %dma_start3A_40 : memref<1x128xi32, #tpu.memory_space<vmem>> -> memref<128xi32, #tpu.memory_space<vmem>>
        %dma_start3A_42 = arith.constant 0 : i32
        %dma_start3A_43 = arith.constant 0 : i32
        %dma_start3A_44 = tpu.memref_slice %arg8[%dma_start3A_42, %dma_start3A_43] : memref<10240x16xf32, #tpu.memory_space<vmem_shared>> -> memref<10240x16xf32, #tpu.memory_space<vmem_shared>>
        tpu.enqueue_indirect_dma source(%dma_start3A_38 : memref<128x16xf32, #tpu.memory_space<vmem>>) target(%dma_start3A_44 : memref<10240x16xf32, #tpu.memory_space<vmem_shared>>) offsets(%dma_start3A_41 : memref<128xi32, #tpu.memory_space<vmem>>) semaphore(%run_scoped3A_36 : memref<!tpu.dma_semaphore, #tpu.memory_space<semaphore_mem>>) {add = true}
        %dma_wait3A = arith.constant 896 : i32
        %dma_wait3A_45 = arith.constant 0 : i32
        %dma_wait3A_46 = tpu.memref_slice %arg7[%dma_wait3A, %dma_wait3A_45] : memref<2048x16xf32, #tpu.memory_space<vmem>> -> memref<128x16xf32, #tpu.memory_space<vmem>>
        %dma_wait3A_47 = arith.constant 0 : i32
        %dma_wait3A_48 = tpu.memref_slice %arg6[%run_scoped3A_27, %dma_wait3A_47] : memref<16x128xi32, #tpu.memory_space<vmem>> -> memref<1x128xi32, #tpu.memory_space<vmem>>
        %dma_wait3A_49 = tpu.memref_squeeze %dma_wait3A_48 : memref<1x128xi32, #tpu.memory_space<vmem>> -> memref<128xi32, #tpu.memory_space<vmem>>
        %dma_wait3A_50 = arith.constant 0 : i32
        %dma_wait3A_51 = arith.constant 0 : i32
        %dma_wait3A_52 = tpu.memref_slice %arg8[%dma_wait3A_50, %dma_wait3A_51] : memref<10240x16xf32, #tpu.memory_space<vmem_shared>> -> memref<10240x16xf32, #tpu.memory_space<vmem_shared>>
        tpu.wait_indirect_dma semaphore(%run_scoped3A_36 : memref<!tpu.dma_semaphore, #tpu.memory_space<semaphore_mem>>) src(%dma_wait3A_46 : memref<128x16xf32, #tpu.memory_space<vmem>>) dst(%dma_wait3A_52 : memref<10240x16xf32, #tpu.memory_space<vmem_shared>>)
        tpu.yield
      }) : () -> ()
      %run_scoped3A_28 = arith.constant 8 : i32
      "tpu.region"() ({
        %run_scoped3A_36 = tpu.sem_alloc : memref<!tpu.dma_semaphore, #tpu.memory_space<semaphore_mem>>
        %dma_start3A = arith.constant 1024 : i32
        %dma_start3A_37 = arith.constant 0 : i32
        %dma_start3A_38 = tpu.memref_slice %arg7[%dma_start3A, %dma_start3A_37] : memref<2048x16xf32, #tpu.memory_space<vmem>> -> memref<128x16xf32, #tpu.memory_space<vmem>>
        %dma_start3A_39 = arith.constant 0 : i32
        %dma_start3A_40 = tpu.memref_slice %arg6[%run_scoped3A_28, %dma_start3A_39] : memref<16x128xi32, #tpu.memory_space<vmem>> -> memref<1x128xi32, #tpu.memory_space<vmem>>
        %dma_start3A_41 = tpu.memref_squeeze %dma_start3A_40 : memref<1x128xi32, #tpu.memory_space<vmem>> -> memref<128xi32, #tpu.memory_space<vmem>>
        %dma_start3A_42 = arith.constant 0 : i32
        %dma_start3A_43 = arith.constant 0 : i32
        %dma_start3A_44 = tpu.memref_slice %arg8[%dma_start3A_42, %dma_start3A_43] : memref<10240x16xf32, #tpu.memory_space<vmem_shared>> -> memref<10240x16xf32, #tpu.memory_space<vmem_shared>>
        tpu.enqueue_indirect_dma source(%dma_start3A_38 : memref<128x16xf32, #tpu.memory_space<vmem>>) target(%dma_start3A_44 : memref<10240x16xf32, #tpu.memory_space<vmem_shared>>) offsets(%dma_start3A_41 : memref<128xi32, #tpu.memory_space<vmem>>) semaphore(%run_scoped3A_36 : memref<!tpu.dma_semaphore, #tpu.memory_space<semaphore_mem>>) {add = true}
        %dma_wait3A = arith.constant 1024 : i32
        %dma_wait3A_45 = arith.constant 0 : i32
        %dma_wait3A_46 = tpu.memref_slice %arg7[%dma_wait3A, %dma_wait3A_45] : memref<2048x16xf32, #tpu.memory_space<vmem>> -> memref<128x16xf32, #tpu.memory_space<vmem>>
        %dma_wait3A_47 = arith.constant 0 : i32
        %dma_wait3A_48 = tpu.memref_slice %arg6[%run_scoped3A_28, %dma_wait3A_47] : memref<16x128xi32, #tpu.memory_space<vmem>> -> memref<1x128xi32, #tpu.memory_space<vmem>>
        %dma_wait3A_49 = tpu.memref_squeeze %dma_wait3A_48 : memref<1x128xi32, #tpu.memory_space<vmem>> -> memref<128xi32, #tpu.memory_space<vmem>>
        %dma_wait3A_50 = arith.constant 0 : i32
        %dma_wait3A_51 = arith.constant 0 : i32
        %dma_wait3A_52 = tpu.memref_slice %arg8[%dma_wait3A_50, %dma_wait3A_51] : memref<10240x16xf32, #tpu.memory_space<vmem_shared>> -> memref<10240x16xf32, #tpu.memory_space<vmem_shared>>
        tpu.wait_indirect_dma semaphore(%run_scoped3A_36 : memref<!tpu.dma_semaphore, #tpu.memory_space<semaphore_mem>>) src(%dma_wait3A_46 : memref<128x16xf32, #tpu.memory_space<vmem>>) dst(%dma_wait3A_52 : memref<10240x16xf32, #tpu.memory_space<vmem_shared>>)
        tpu.yield
      }) : () -> ()
      %run_scoped3A_29 = arith.constant 9 : i32
      "tpu.region"() ({
        %run_scoped3A_36 = tpu.sem_alloc : memref<!tpu.dma_semaphore, #tpu.memory_space<semaphore_mem>>
        %dma_start3A = arith.constant 1152 : i32
        %dma_start3A_37 = arith.constant 0 : i32
        %dma_start3A_38 = tpu.memref_slice %arg7[%dma_start3A, %dma_start3A_37] : memref<2048x16xf32, #tpu.memory_space<vmem>> -> memref<128x16xf32, #tpu.memory_space<vmem>>
        %dma_start3A_39 = arith.constant 0 : i32
        %dma_start3A_40 = tpu.memref_slice %arg6[%run_scoped3A_29, %dma_start3A_39] : memref<16x128xi32, #tpu.memory_space<vmem>> -> memref<1x128xi32, #tpu.memory_space<vmem>>
        %dma_start3A_41 = tpu.memref_squeeze %dma_start3A_40 : memref<1x128xi32, #tpu.memory_space<vmem>> -> memref<128xi32, #tpu.memory_space<vmem>>
        %dma_start3A_42 = arith.constant 0 : i32
        %dma_start3A_43 = arith.constant 0 : i32
        %dma_start3A_44 = tpu.memref_slice %arg8[%dma_start3A_42, %dma_start3A_43] : memref<10240x16xf32, #tpu.memory_space<vmem_shared>> -> memref<10240x16xf32, #tpu.memory_space<vmem_shared>>
        tpu.enqueue_indirect_dma source(%dma_start3A_38 : memref<128x16xf32, #tpu.memory_space<vmem>>) target(%dma_start3A_44 : memref<10240x16xf32, #tpu.memory_space<vmem_shared>>) offsets(%dma_start3A_41 : memref<128xi32, #tpu.memory_space<vmem>>) semaphore(%run_scoped3A_36 : memref<!tpu.dma_semaphore, #tpu.memory_space<semaphore_mem>>) {add = true}
        %dma_wait3A = arith.constant 1152 : i32
        %dma_wait3A_45 = arith.constant 0 : i32
        %dma_wait3A_46 = tpu.memref_slice %arg7[%dma_wait3A, %dma_wait3A_45] : memref<2048x16xf32, #tpu.memory_space<vmem>> -> memref<128x16xf32, #tpu.memory_space<vmem>>
        %dma_wait3A_47 = arith.constant 0 : i32
        %dma_wait3A_48 = tpu.memref_slice %arg6[%run_scoped3A_29, %dma_wait3A_47] : memref<16x128xi32, #tpu.memory_space<vmem>> -> memref<1x128xi32, #tpu.memory_space<vmem>>
        %dma_wait3A_49 = tpu.memref_squeeze %dma_wait3A_48 : memref<1x128xi32, #tpu.memory_space<vmem>> -> memref<128xi32, #tpu.memory_space<vmem>>
        %dma_wait3A_50 = arith.constant 0 : i32
        %dma_wait3A_51 = arith.constant 0 : i32
        %dma_wait3A_52 = tpu.memref_slice %arg8[%dma_wait3A_50, %dma_wait3A_51] : memref<10240x16xf32, #tpu.memory_space<vmem_shared>> -> memref<10240x16xf32, #tpu.memory_space<vmem_shared>>
        tpu.wait_indirect_dma semaphore(%run_scoped3A_36 : memref<!tpu.dma_semaphore, #tpu.memory_space<semaphore_mem>>) src(%dma_wait3A_46 : memref<128x16xf32, #tpu.memory_space<vmem>>) dst(%dma_wait3A_52 : memref<10240x16xf32, #tpu.memory_space<vmem_shared>>)
        tpu.yield
      }) : () -> ()
      %run_scoped3A_30 = arith.constant 10 : i32
      "tpu.region"() ({
        %run_scoped3A_36 = tpu.sem_alloc : memref<!tpu.dma_semaphore, #tpu.memory_space<semaphore_mem>>
        %dma_start3A = arith.constant 1280 : i32
        %dma_start3A_37 = arith.constant 0 : i32
        %dma_start3A_38 = tpu.memref_slice %arg7[%dma_start3A, %dma_start3A_37] : memref<2048x16xf32, #tpu.memory_space<vmem>> -> memref<128x16xf32, #tpu.memory_space<vmem>>
        %dma_start3A_39 = arith.constant 0 : i32
        %dma_start3A_40 = tpu.memref_slice %arg6[%run_scoped3A_30, %dma_start3A_39] : memref<16x128xi32, #tpu.memory_space<vmem>> -> memref<1x128xi32, #tpu.memory_space<vmem>>
        %dma_start3A_41 = tpu.memref_squeeze %dma_start3A_40 : memref<1x128xi32, #tpu.memory_space<vmem>> -> memref<128xi32, #tpu.memory_space<vmem>>
        %dma_start3A_42 = arith.constant 0 : i32
        %dma_start3A_43 = arith.constant 0 : i32
        %dma_start3A_44 = tpu.memref_slice %arg8[%dma_start3A_42, %dma_start3A_43] : memref<10240x16xf32, #tpu.memory_space<vmem_shared>> -> memref<10240x16xf32, #tpu.memory_space<vmem_shared>>
        tpu.enqueue_indirect_dma source(%dma_start3A_38 : memref<128x16xf32, #tpu.memory_space<vmem>>) target(%dma_start3A_44 : memref<10240x16xf32, #tpu.memory_space<vmem_shared>>) offsets(%dma_start3A_41 : memref<128xi32, #tpu.memory_space<vmem>>) semaphore(%run_scoped3A_36 : memref<!tpu.dma_semaphore, #tpu.memory_space<semaphore_mem>>) {add = true}
        %dma_wait3A = arith.constant 1280 : i32
        %dma_wait3A_45 = arith.constant 0 : i32
        %dma_wait3A_46 = tpu.memref_slice %arg7[%dma_wait3A, %dma_wait3A_45] : memref<2048x16xf32, #tpu.memory_space<vmem>> -> memref<128x16xf32, #tpu.memory_space<vmem>>
        %dma_wait3A_47 = arith.constant 0 : i32
        %dma_wait3A_48 = tpu.memref_slice %arg6[%run_scoped3A_30, %dma_wait3A_47] : memref<16x128xi32, #tpu.memory_space<vmem>> -> memref<1x128xi32, #tpu.memory_space<vmem>>
        %dma_wait3A_49 = tpu.memref_squeeze %dma_wait3A_48 : memref<1x128xi32, #tpu.memory_space<vmem>> -> memref<128xi32, #tpu.memory_space<vmem>>
        %dma_wait3A_50 = arith.constant 0 : i32
        %dma_wait3A_51 = arith.constant 0 : i32
        %dma_wait3A_52 = tpu.memref_slice %arg8[%dma_wait3A_50, %dma_wait3A_51] : memref<10240x16xf32, #tpu.memory_space<vmem_shared>> -> memref<10240x16xf32, #tpu.memory_space<vmem_shared>>
        tpu.wait_indirect_dma semaphore(%run_scoped3A_36 : memref<!tpu.dma_semaphore, #tpu.memory_space<semaphore_mem>>) src(%dma_wait3A_46 : memref<128x16xf32, #tpu.memory_space<vmem>>) dst(%dma_wait3A_52 : memref<10240x16xf32, #tpu.memory_space<vmem_shared>>)
        tpu.yield
      }) : () -> ()
      %run_scoped3A_31 = arith.constant 11 : i32
      "tpu.region"() ({
        %run_scoped3A_36 = tpu.sem_alloc : memref<!tpu.dma_semaphore, #tpu.memory_space<semaphore_mem>>
        %dma_start3A = arith.constant 1408 : i32
        %dma_start3A_37 = arith.constant 0 : i32
        %dma_start3A_38 = tpu.memref_slice %arg7[%dma_start3A, %dma_start3A_37] : memref<2048x16xf32, #tpu.memory_space<vmem>> -> memref<128x16xf32, #tpu.memory_space<vmem>>
        %dma_start3A_39 = arith.constant 0 : i32
        %dma_start3A_40 = tpu.memref_slice %arg6[%run_scoped3A_31, %dma_start3A_39] : memref<16x128xi32, #tpu.memory_space<vmem>> -> memref<1x128xi32, #tpu.memory_space<vmem>>
        %dma_start3A_41 = tpu.memref_squeeze %dma_start3A_40 : memref<1x128xi32, #tpu.memory_space<vmem>> -> memref<128xi32, #tpu.memory_space<vmem>>
        %dma_start3A_42 = arith.constant 0 : i32
        %dma_start3A_43 = arith.constant 0 : i32
        %dma_start3A_44 = tpu.memref_slice %arg8[%dma_start3A_42, %dma_start3A_43] : memref<10240x16xf32, #tpu.memory_space<vmem_shared>> -> memref<10240x16xf32, #tpu.memory_space<vmem_shared>>
        tpu.enqueue_indirect_dma source(%dma_start3A_38 : memref<128x16xf32, #tpu.memory_space<vmem>>) target(%dma_start3A_44 : memref<10240x16xf32, #tpu.memory_space<vmem_shared>>) offsets(%dma_start3A_41 : memref<128xi32, #tpu.memory_space<vmem>>) semaphore(%run_scoped3A_36 : memref<!tpu.dma_semaphore, #tpu.memory_space<semaphore_mem>>) {add = true}
        %dma_wait3A = arith.constant 1408 : i32
        %dma_wait3A_45 = arith.constant 0 : i32
        %dma_wait3A_46 = tpu.memref_slice %arg7[%dma_wait3A, %dma_wait3A_45] : memref<2048x16xf32, #tpu.memory_space<vmem>> -> memref<128x16xf32, #tpu.memory_space<vmem>>
        %dma_wait3A_47 = arith.constant 0 : i32
        %dma_wait3A_48 = tpu.memref_slice %arg6[%run_scoped3A_31, %dma_wait3A_47] : memref<16x128xi32, #tpu.memory_space<vmem>> -> memref<1x128xi32, #tpu.memory_space<vmem>>
        %dma_wait3A_49 = tpu.memref_squeeze %dma_wait3A_48 : memref<1x128xi32, #tpu.memory_space<vmem>> -> memref<128xi32, #tpu.memory_space<vmem>>
        %dma_wait3A_50 = arith.constant 0 : i32
        %dma_wait3A_51 = arith.constant 0 : i32
        %dma_wait3A_52 = tpu.memref_slice %arg8[%dma_wait3A_50, %dma_wait3A_51] : memref<10240x16xf32, #tpu.memory_space<vmem_shared>> -> memref<10240x16xf32, #tpu.memory_space<vmem_shared>>
        tpu.wait_indirect_dma semaphore(%run_scoped3A_36 : memref<!tpu.dma_semaphore, #tpu.memory_space<semaphore_mem>>) src(%dma_wait3A_46 : memref<128x16xf32, #tpu.memory_space<vmem>>) dst(%dma_wait3A_52 : memref<10240x16xf32, #tpu.memory_space<vmem_shared>>)
        tpu.yield
      }) : () -> ()
      %run_scoped3A_32 = arith.constant 12 : i32
      "tpu.region"() ({
        %run_scoped3A_36 = tpu.sem_alloc : memref<!tpu.dma_semaphore, #tpu.memory_space<semaphore_mem>>
        %dma_start3A = arith.constant 1536 : i32
        %dma_start3A_37 = arith.constant 0 : i32
        %dma_start3A_38 = tpu.memref_slice %arg7[%dma_start3A, %dma_start3A_37] : memref<2048x16xf32, #tpu.memory_space<vmem>> -> memref<128x16xf32, #tpu.memory_space<vmem>>
        %dma_start3A_39 = arith.constant 0 : i32
        %dma_start3A_40 = tpu.memref_slice %arg6[%run_scoped3A_32, %dma_start3A_39] : memref<16x128xi32, #tpu.memory_space<vmem>> -> memref<1x128xi32, #tpu.memory_space<vmem>>
        %dma_start3A_41 = tpu.memref_squeeze %dma_start3A_40 : memref<1x128xi32, #tpu.memory_space<vmem>> -> memref<128xi32, #tpu.memory_space<vmem>>
        %dma_start3A_42 = arith.constant 0 : i32
        %dma_start3A_43 = arith.constant 0 : i32
        %dma_start3A_44 = tpu.memref_slice %arg8[%dma_start3A_42, %dma_start3A_43] : memref<10240x16xf32, #tpu.memory_space<vmem_shared>> -> memref<10240x16xf32, #tpu.memory_space<vmem_shared>>
        tpu.enqueue_indirect_dma source(%dma_start3A_38 : memref<128x16xf32, #tpu.memory_space<vmem>>) target(%dma_start3A_44 : memref<10240x16xf32, #tpu.memory_space<vmem_shared>>) offsets(%dma_start3A_41 : memref<128xi32, #tpu.memory_space<vmem>>) semaphore(%run_scoped3A_36 : memref<!tpu.dma_semaphore, #tpu.memory_space<semaphore_mem>>) {add = true}
        %dma_wait3A = arith.constant 1536 : i32
        %dma_wait3A_45 = arith.constant 0 : i32
        %dma_wait3A_46 = tpu.memref_slice %arg7[%dma_wait3A, %dma_wait3A_45] : memref<2048x16xf32, #tpu.memory_space<vmem>> -> memref<128x16xf32, #tpu.memory_space<vmem>>
        %dma_wait3A_47 = arith.constant 0 : i32
        %dma_wait3A_48 = tpu.memref_slice %arg6[%run_scoped3A_32, %dma_wait3A_47] : memref<16x128xi32, #tpu.memory_space<vmem>> -> memref<1x128xi32, #tpu.memory_space<vmem>>
        %dma_wait3A_49 = tpu.memref_squeeze %dma_wait3A_48 : memref<1x128xi32, #tpu.memory_space<vmem>> -> memref<128xi32, #tpu.memory_space<vmem>>
        %dma_wait3A_50 = arith.constant 0 : i32
        %dma_wait3A_51 = arith.constant 0 : i32
        %dma_wait3A_52 = tpu.memref_slice %arg8[%dma_wait3A_50, %dma_wait3A_51] : memref<10240x16xf32, #tpu.memory_space<vmem_shared>> -> memref<10240x16xf32, #tpu.memory_space<vmem_shared>>
        tpu.wait_indirect_dma semaphore(%run_scoped3A_36 : memref<!tpu.dma_semaphore, #tpu.memory_space<semaphore_mem>>) src(%dma_wait3A_46 : memref<128x16xf32, #tpu.memory_space<vmem>>) dst(%dma_wait3A_52 : memref<10240x16xf32, #tpu.memory_space<vmem_shared>>)
        tpu.yield
      }) : () -> ()
      %run_scoped3A_33 = arith.constant 13 : i32
      "tpu.region"() ({
        %run_scoped3A_36 = tpu.sem_alloc : memref<!tpu.dma_semaphore, #tpu.memory_space<semaphore_mem>>
        %dma_start3A = arith.constant 1664 : i32
        %dma_start3A_37 = arith.constant 0 : i32
        %dma_start3A_38 = tpu.memref_slice %arg7[%dma_start3A, %dma_start3A_37] : memref<2048x16xf32, #tpu.memory_space<vmem>> -> memref<128x16xf32, #tpu.memory_space<vmem>>
        %dma_start3A_39 = arith.constant 0 : i32
        %dma_start3A_40 = tpu.memref_slice %arg6[%run_scoped3A_33, %dma_start3A_39] : memref<16x128xi32, #tpu.memory_space<vmem>> -> memref<1x128xi32, #tpu.memory_space<vmem>>
        %dma_start3A_41 = tpu.memref_squeeze %dma_start3A_40 : memref<1x128xi32, #tpu.memory_space<vmem>> -> memref<128xi32, #tpu.memory_space<vmem>>
        %dma_start3A_42 = arith.constant 0 : i32
        %dma_start3A_43 = arith.constant 0 : i32
        %dma_start3A_44 = tpu.memref_slice %arg8[%dma_start3A_42, %dma_start3A_43] : memref<10240x16xf32, #tpu.memory_space<vmem_shared>> -> memref<10240x16xf32, #tpu.memory_space<vmem_shared>>
        tpu.enqueue_indirect_dma source(%dma_start3A_38 : memref<128x16xf32, #tpu.memory_space<vmem>>) target(%dma_start3A_44 : memref<10240x16xf32, #tpu.memory_space<vmem_shared>>) offsets(%dma_start3A_41 : memref<128xi32, #tpu.memory_space<vmem>>) semaphore(%run_scoped3A_36 : memref<!tpu.dma_semaphore, #tpu.memory_space<semaphore_mem>>) {add = true}
        %dma_wait3A = arith.constant 1664 : i32
        %dma_wait3A_45 = arith.constant 0 : i32
        %dma_wait3A_46 = tpu.memref_slice %arg7[%dma_wait3A, %dma_wait3A_45] : memref<2048x16xf32, #tpu.memory_space<vmem>> -> memref<128x16xf32, #tpu.memory_space<vmem>>
        %dma_wait3A_47 = arith.constant 0 : i32
        %dma_wait3A_48 = tpu.memref_slice %arg6[%run_scoped3A_33, %dma_wait3A_47] : memref<16x128xi32, #tpu.memory_space<vmem>> -> memref<1x128xi32, #tpu.memory_space<vmem>>
        %dma_wait3A_49 = tpu.memref_squeeze %dma_wait3A_48 : memref<1x128xi32, #tpu.memory_space<vmem>> -> memref<128xi32, #tpu.memory_space<vmem>>
        %dma_wait3A_50 = arith.constant 0 : i32
        %dma_wait3A_51 = arith.constant 0 : i32
        %dma_wait3A_52 = tpu.memref_slice %arg8[%dma_wait3A_50, %dma_wait3A_51] : memref<10240x16xf32, #tpu.memory_space<vmem_shared>> -> memref<10240x16xf32, #tpu.memory_space<vmem_shared>>
        tpu.wait_indirect_dma semaphore(%run_scoped3A_36 : memref<!tpu.dma_semaphore, #tpu.memory_space<semaphore_mem>>) src(%dma_wait3A_46 : memref<128x16xf32, #tpu.memory_space<vmem>>) dst(%dma_wait3A_52 : memref<10240x16xf32, #tpu.memory_space<vmem_shared>>)
        tpu.yield
      }) : () -> ()
      %run_scoped3A_34 = arith.constant 14 : i32
      "tpu.region"() ({
        %run_scoped3A_36 = tpu.sem_alloc : memref<!tpu.dma_semaphore, #tpu.memory_space<semaphore_mem>>
        %dma_start3A = arith.constant 1792 : i32
        %dma_start3A_37 = arith.constant 0 : i32
        %dma_start3A_38 = tpu.memref_slice %arg7[%dma_start3A, %dma_start3A_37] : memref<2048x16xf32, #tpu.memory_space<vmem>> -> memref<128x16xf32, #tpu.memory_space<vmem>>
        %dma_start3A_39 = arith.constant 0 : i32
        %dma_start3A_40 = tpu.memref_slice %arg6[%run_scoped3A_34, %dma_start3A_39] : memref<16x128xi32, #tpu.memory_space<vmem>> -> memref<1x128xi32, #tpu.memory_space<vmem>>
        %dma_start3A_41 = tpu.memref_squeeze %dma_start3A_40 : memref<1x128xi32, #tpu.memory_space<vmem>> -> memref<128xi32, #tpu.memory_space<vmem>>
        %dma_start3A_42 = arith.constant 0 : i32
        %dma_start3A_43 = arith.constant 0 : i32
        %dma_start3A_44 = tpu.memref_slice %arg8[%dma_start3A_42, %dma_start3A_43] : memref<10240x16xf32, #tpu.memory_space<vmem_shared>> -> memref<10240x16xf32, #tpu.memory_space<vmem_shared>>
        tpu.enqueue_indirect_dma source(%dma_start3A_38 : memref<128x16xf32, #tpu.memory_space<vmem>>) target(%dma_start3A_44 : memref<10240x16xf32, #tpu.memory_space<vmem_shared>>) offsets(%dma_start3A_41 : memref<128xi32, #tpu.memory_space<vmem>>) semaphore(%run_scoped3A_36 : memref<!tpu.dma_semaphore, #tpu.memory_space<semaphore_mem>>) {add = true}
        %dma_wait3A = arith.constant 1792 : i32
        %dma_wait3A_45 = arith.constant 0 : i32
        %dma_wait3A_46 = tpu.memref_slice %arg7[%dma_wait3A, %dma_wait3A_45] : memref<2048x16xf32, #tpu.memory_space<vmem>> -> memref<128x16xf32, #tpu.memory_space<vmem>>
        %dma_wait3A_47 = arith.constant 0 : i32
        %dma_wait3A_48 = tpu.memref_slice %arg6[%run_scoped3A_34, %dma_wait3A_47] : memref<16x128xi32, #tpu.memory_space<vmem>> -> memref<1x128xi32, #tpu.memory_space<vmem>>
        %dma_wait3A_49 = tpu.memref_squeeze %dma_wait3A_48 : memref<1x128xi32, #tpu.memory_space<vmem>> -> memref<128xi32, #tpu.memory_space<vmem>>
        %dma_wait3A_50 = arith.constant 0 : i32
        %dma_wait3A_51 = arith.constant 0 : i32
        %dma_wait3A_52 = tpu.memref_slice %arg8[%dma_wait3A_50, %dma_wait3A_51] : memref<10240x16xf32, #tpu.memory_space<vmem_shared>> -> memref<10240x16xf32, #tpu.memory_space<vmem_shared>>
        tpu.wait_indirect_dma semaphore(%run_scoped3A_36 : memref<!tpu.dma_semaphore, #tpu.memory_space<semaphore_mem>>) src(%dma_wait3A_46 : memref<128x16xf32, #tpu.memory_space<vmem>>) dst(%dma_wait3A_52 : memref<10240x16xf32, #tpu.memory_space<vmem_shared>>)
        tpu.yield
      }) : () -> ()
      %run_scoped3A_35 = arith.constant 15 : i32
      "tpu.region"() ({
        %run_scoped3A_36 = tpu.sem_alloc : memref<!tpu.dma_semaphore, #tpu.memory_space<semaphore_mem>>
        %dma_start3A = arith.constant 1920 : i32
        %dma_start3A_37 = arith.constant 0 : i32
        %dma_start3A_38 = tpu.memref_slice %arg7[%dma_start3A, %dma_start3A_37] : memref<2048x16xf32, #tpu.memory_space<vmem>> -> memref<128x16xf32, #tpu.memory_space<vmem>>
        %dma_start3A_39 = arith.constant 0 : i32
        %dma_start3A_40 = tpu.memref_slice %arg6[%run_scoped3A_35, %dma_start3A_39] : memref<16x128xi32, #tpu.memory_space<vmem>> -> memref<1x128xi32, #tpu.memory_space<vmem>>
        %dma_start3A_41 = tpu.memref_squeeze %dma_start3A_40 : memref<1x128xi32, #tpu.memory_space<vmem>> -> memref<128xi32, #tpu.memory_space<vmem>>
        %dma_start3A_42 = arith.constant 0 : i32
        %dma_start3A_43 = arith.constant 0 : i32
        %dma_start3A_44 = tpu.memref_slice %arg8[%dma_start3A_42, %dma_start3A_43] : memref<10240x16xf32, #tpu.memory_space<vmem_shared>> -> memref<10240x16xf32, #tpu.memory_space<vmem_shared>>
        tpu.enqueue_indirect_dma source(%dma_start3A_38 : memref<128x16xf32, #tpu.memory_space<vmem>>) target(%dma_start3A_44 : memref<10240x16xf32, #tpu.memory_space<vmem_shared>>) offsets(%dma_start3A_41 : memref<128xi32, #tpu.memory_space<vmem>>) semaphore(%run_scoped3A_36 : memref<!tpu.dma_semaphore, #tpu.memory_space<semaphore_mem>>) {add = true}
        %dma_wait3A = arith.constant 1920 : i32
        %dma_wait3A_45 = arith.constant 0 : i32
        %dma_wait3A_46 = tpu.memref_slice %arg7[%dma_wait3A, %dma_wait3A_45] : memref<2048x16xf32, #tpu.memory_space<vmem>> -> memref<128x16xf32, #tpu.memory_space<vmem>>
        %dma_wait3A_47 = arith.constant 0 : i32
        %dma_wait3A_48 = tpu.memref_slice %arg6[%run_scoped3A_35, %dma_wait3A_47] : memref<16x128xi32, #tpu.memory_space<vmem>> -> memref<1x128xi32, #tpu.memory_space<vmem>>
        %dma_wait3A_49 = tpu.memref_squeeze %dma_wait3A_48 : memref<1x128xi32, #tpu.memory_space<vmem>> -> memref<128xi32, #tpu.memory_space<vmem>>
        %dma_wait3A_50 = arith.constant 0 : i32
        %dma_wait3A_51 = arith.constant 0 : i32
        %dma_wait3A_52 = tpu.memref_slice %arg8[%dma_wait3A_50, %dma_wait3A_51] : memref<10240x16xf32, #tpu.memory_space<vmem_shared>> -> memref<10240x16xf32, #tpu.memory_space<vmem_shared>>
        tpu.wait_indirect_dma semaphore(%run_scoped3A_36 : memref<!tpu.dma_semaphore, #tpu.memory_space<semaphore_mem>>) src(%dma_wait3A_46 : memref<128x16xf32, #tpu.memory_space<vmem>>) dst(%dma_wait3A_52 : memref<10240x16xf32, #tpu.memory_space<vmem_shared>>)
        tpu.yield
      }) : () -> ()
    }
    %scan3A_7 = arith.constant 5 : i32
    %barrier3A_8 = arith.constant 0 : index
    tpu.barrier barrier_id(%barrier3A_8)
    %mul3A_9 = arith.constant 640 : i32
    %mul3A_10 = arith.muli %arg1, %mul3A_9 : i32
    %mul3A_11 = arith.constant 640 : i32
    %mul3A_12 = arith.muli %arg1, %mul3A_11 : i32
    "tpu.region"() ({
      %run_scoped3A = tpu.sem_alloc : memref<!tpu.dma_semaphore, #tpu.memory_space<semaphore_mem>>
      %dma_start3A = arith.constant 0 : i32
      %dma_start3A_13 = tpu.memref_slice %arg5[%arg0, %mul3A_12, %dma_start3A] : memref<2x10240x16xf32, #tpu.memory_space<hbm>> -> memref<1x640x16xf32, #tpu.memory_space<hbm>>
      %dma_start3A_14 = tpu.memref_squeeze %dma_start3A_13 : memref<1x640x16xf32, #tpu.memory_space<hbm>> -> memref<640x16xf32, #tpu.memory_space<hbm>>
      %dma_start3A_15 = arith.constant 0 : i32
      %dma_start3A_16 = tpu.memref_slice %arg8[%mul3A_10, %dma_start3A_15] : memref<10240x16xf32, #tpu.memory_space<vmem_shared>> -> memref<640x16xf32, #tpu.memory_space<vmem_shared>>
      tpu.enqueue_dma source(%dma_start3A_16 : memref<640x16xf32, #tpu.memory_space<vmem_shared>>) target(%dma_start3A_14 : memref<640x16xf32, #tpu.memory_space<hbm>>) target_semaphore(%run_scoped3A : memref<!tpu.dma_semaphore, #tpu.memory_space<semaphore_mem>>)
      %dma_wait3A = arith.constant 0 : i32
      %dma_wait3A_17 = tpu.memref_slice %arg5[%arg0, %mul3A_12, %dma_wait3A] : memref<2x10240x16xf32, #tpu.memory_space<hbm>> -> memref<1x640x16xf32, #tpu.memory_space<hbm>>
      %dma_wait3A_18 = tpu.memref_squeeze %dma_wait3A_17 : memref<1x640x16xf32, #tpu.memory_space<hbm>> -> memref<640x16xf32, #tpu.memory_space<hbm>>
      %dma_wait3A_19 = arith.constant 0 : i32
      %dma_wait3A_20 = tpu.memref_slice %arg8[%mul3A_10, %dma_wait3A_19] : memref<10240x16xf32, #tpu.memory_space<vmem_shared>> -> memref<640x16xf32, #tpu.memory_space<vmem_shared>>
      tpu.wait_dma2 semaphore(%run_scoped3A : memref<!tpu.dma_semaphore, #tpu.memory_space<semaphore_mem>>) src(%dma_wait3A_20 : memref<640x16xf32, #tpu.memory_space<vmem_shared>>) dst(%dma_wait3A_18 : memref<640x16xf32, #tpu.memory_space<hbm>>)
      tpu.yield
    }) : () -> ()
    return
  }
}

module attributes {stable_mosaic.version = 14 : i64} {
  func.func @_node_prep_body(%arg0: i32, %arg1: memref<128x1024xf32, #tpu.memory_space<vmem>>, %arg2: memref<1x1024xf32, #tpu.memory_space<vmem>>, %arg3: memref<1x1024xf32, #tpu.memory_space<vmem>>, %arg4: memref<1024x128xf32, #tpu.memory_space<vmem>>, %arg5: memref<1x128xf32, #tpu.memory_space<vmem>>, %arg6: memref<128x128xf32, #tpu.memory_space<vmem>>) attributes {dimension_semantics = [#tpu.dimension_semantics<arbitrary>], iteration_bounds = array<i64: 10>, scalar_prefetch = 0 : i64, scratch_operands = 0 : i64, tpu.core_type = #tpu.core_type<tc>, window_params = [{transform_indices = @transform_0, window_bounds = array<i64: 128, 1024>}, {pipeline_mode = #tpu.pipeline_mode<synchronous>, transform_indices = @transform_1, window_bounds = array<i64: 1, 1024>}, {pipeline_mode = #tpu.pipeline_mode<synchronous>, transform_indices = @transform_2, window_bounds = array<i64: 1, 1024>}, {pipeline_mode = #tpu.pipeline_mode<synchronous>, transform_indices = @transform_3, window_bounds = array<i64: 1024, 128>}, {pipeline_mode = #tpu.pipeline_mode<synchronous>, transform_indices = @transform_4, window_bounds = array<i64: 1, 128>}, {transform_indices = @transform_5, window_bounds = array<i64: 128, 128>}]} {
    %get3A = arith.constant 0 : index
    %get3A_0 = arith.constant 0 : index
    %get3A_1 = vector.load %arg1[%get3A, %get3A_0] : memref<128x1024xf32, #tpu.memory_space<vmem>>, vector<128x1024xf32>
    %get3A_2 = arith.constant 0 : index
    %get3A_3 = arith.constant 0 : index
    %get3A_4 = vector.load %arg2[%get3A_2, %get3A_3] : memref<1x1024xf32, #tpu.memory_space<vmem>>, vector<1x1024xf32>
    %mul3A = vector.broadcast %get3A_4 : vector<1x1024xf32> to vector<128x1024xf32>
    %mul3A_5 = arith.mulf %get3A_1, %mul3A : vector<128x1024xf32>
    %get3A_6 = arith.constant 0 : index
    %get3A_7 = arith.constant 0 : index
    %get3A_8 = vector.load %arg3[%get3A_6, %get3A_7] : memref<1x1024xf32, #tpu.memory_space<vmem>>, vector<1x1024xf32>
    %add3A = vector.broadcast %get3A_8 : vector<1x1024xf32> to vector<128x1024xf32>
    %add3A_9 = arith.addf %mul3A_5, %add3A : vector<128x1024xf32>
    %max3A = arith.constant 0.000000e+00 : f32
    %max3A_10 = vector.broadcast %max3A : f32 to vector<128x1024xf32>
    %max3A_11 = arith.maximumf %add3A_9, %max3A_10 : vector<128x1024xf32>
    %get3A_12 = arith.constant 0 : index
    %get3A_13 = arith.constant 0 : index
    %get3A_14 = vector.load %arg4[%get3A_12, %get3A_13] : memref<1024x128xf32, #tpu.memory_space<vmem>>, vector<1024x128xf32>
    %dot_general3A = arith.constant dense<0.000000e+00> : vector<128x128xf32>
    %dot_general3A_15 = tpu.matmul %max3A_11, %get3A_14, %dot_general3A {dimension_numbers = #tpu.dot_dimension_numbers<[1], [0], [0], [1], [0, 0, 1, 1], [], []>, transpose_lhs_hint = false} : vector<128x1024xf32>, vector<1024x128xf32>, vector<128x128xf32> -> vector<128x128xf32>
    %get3A_16 = arith.constant 0 : index
    %get3A_17 = arith.constant 0 : index
    %get3A_18 = vector.load %arg5[%get3A_16, %get3A_17] : memref<1x128xf32, #tpu.memory_space<vmem>>, vector<1x128xf32>
    %add3A_19 = vector.broadcast %get3A_18 : vector<1x128xf32> to vector<128x128xf32>
    %add3A_20 = arith.addf %dot_general3A_15, %add3A_19 : vector<128x128xf32>
    %max3A_21 = arith.constant 0.000000e+00 : f32
    %max3A_22 = vector.broadcast %max3A_21 : f32 to vector<128x128xf32>
    %max3A_23 = arith.maximumf %add3A_20, %max3A_22 : vector<128x128xf32>
    %swap3A = arith.constant 0 : index
    %swap3A_24 = arith.constant 0 : index
    %swap3A_25 = vector.load %arg6[%swap3A, %swap3A_24] : memref<128x128xf32, #tpu.memory_space<vmem>>, vector<128x128xf32>
    tpu.vector_store %arg6[%swap3A, %swap3A_24], %max3A_23 {strides = array<i32>} : memref<128x128xf32, #tpu.memory_space<vmem>>, vector<128x128xf32>,
    return
  }
  func.func @transform_0(%arg0: i32) -> (i32, i32) {
    %c0_i32 = arith.constant 0 : i32
    %c0_i32_0 = arith.constant 0 : i32
    return %arg0, %c0_i32 : i32, i32
  }
  func.func @transform_1(%arg0: i32) -> (i32, i32) {
    %c0_i32 = arith.constant 0 : i32
    %c0_i32_0 = arith.constant 0 : i32
    %c0_i32_1 = arith.constant 0 : i32
    return %c0_i32, %c0_i32_0 : i32, i32
  }
  func.func @transform_2(%arg0: i32) -> (i32, i32) {
    %c0_i32 = arith.constant 0 : i32
    %c0_i32_0 = arith.constant 0 : i32
    %c0_i32_1 = arith.constant 0 : i32
    return %c0_i32, %c0_i32_0 : i32, i32
  }
  func.func @transform_3(%arg0: i32) -> (i32, i32) {
    %c0_i32 = arith.constant 0 : i32
    %c0_i32_0 = arith.constant 0 : i32
    %c0_i32_1 = arith.constant 0 : i32
    return %c0_i32, %c0_i32_0 : i32, i32
  }
  func.func @transform_4(%arg0: i32) -> (i32, i32) {
    %c0_i32 = arith.constant 0 : i32
    %c0_i32_0 = arith.constant 0 : i32
    %c0_i32_1 = arith.constant 0 : i32
    return %c0_i32, %c0_i32_0 : i32, i32
  }
  func.func @transform_5(%arg0: i32) -> (i32, i32) {
    %c0_i32 = arith.constant 0 : i32
    %c0_i32_0 = arith.constant 0 : i32
    return %arg0, %c0_i32 : i32, i32
  }
}

module attributes {stable_mosaic.version = 14 : i64} {
  func.func @_edge_body(%arg0: i32, %arg1: memref<256x128xf32, #tpu.memory_space<vmem>>, %arg2: memref<256x128xf32, #tpu.memory_space<vmem>>, %arg3: memref<128x256xf32, #tpu.memory_space<vmem>>, %arg4: memref<1x256xf32, #tpu.memory_space<vmem>>, %arg5: memref<256x2176xbf16, #tpu.memory_space<vmem>>, %arg6: memref<1x2176xf32, #tpu.memory_space<vmem>>, %arg7: memref<128x2048xbf16, #tpu.memory_space<vmem>>, %arg8: memref<2048x128xbf16, #tpu.memory_space<vmem>>, %arg9: memref<256x128xf32, #tpu.memory_space<vmem>>) attributes {dimension_semantics = [#tpu.dimension_semantics<arbitrary>], iteration_bounds = array<i64: 160>, scalar_prefetch = 0 : i64, scratch_operands = 0 : i64, tpu.core_type = #tpu.core_type<tc>, window_params = [{transform_indices = @transform_0, window_bounds = array<i64: 256, 128>}, {transform_indices = @transform_1, window_bounds = array<i64: 256, 128>}, {pipeline_mode = #tpu.pipeline_mode<synchronous>, transform_indices = @transform_2, window_bounds = array<i64: 128, 256>}, {pipeline_mode = #tpu.pipeline_mode<synchronous>, transform_indices = @transform_3, window_bounds = array<i64: 1, 256>}, {pipeline_mode = #tpu.pipeline_mode<synchronous>, transform_indices = @transform_4, window_bounds = array<i64: 256, 2176>}, {pipeline_mode = #tpu.pipeline_mode<synchronous>, transform_indices = @transform_5, window_bounds = array<i64: 1, 2176>}, {pipeline_mode = #tpu.pipeline_mode<synchronous>, transform_indices = @transform_6, window_bounds = array<i64: 128, 2048>}, {pipeline_mode = #tpu.pipeline_mode<synchronous>, transform_indices = @transform_7, window_bounds = array<i64: 2048, 128>}, {transform_indices = @transform_8, window_bounds = array<i64: 256, 128>}]} {
    %get3A = arith.constant 0 : index
    %get3A_0 = arith.constant 0 : index
    %get3A_1 = vector.load %arg1[%get3A, %get3A_0] : memref<256x128xf32, #tpu.memory_space<vmem>>, vector<256x128xf32>
    %get3A_2 = arith.constant 0 : index
    %get3A_3 = arith.constant 0 : index
    %get3A_4 = vector.load %arg2[%get3A_2, %get3A_3] : memref<256x128xf32, #tpu.memory_space<vmem>>, vector<256x128xf32>
    %get3A_5 = arith.constant 0 : index
    %get3A_6 = arith.constant 0 : index
    %get3A_7 = vector.load %arg3[%get3A_5, %get3A_6] : memref<128x256xf32, #tpu.memory_space<vmem>>, vector<128x256xf32>
    %dot_general3A = arith.constant dense<0.000000e+00> : vector<256x256xf32>
    %dot_general3A_8 = tpu.matmul %get3A_4, %get3A_7, %dot_general3A {dimension_numbers = #tpu.dot_dimension_numbers<[1], [0], [0], [1], [0, 0, 1, 1], [], []>, transpose_lhs_hint = false} : vector<256x128xf32>, vector<128x256xf32>, vector<256x256xf32> -> vector<256x256xf32>
    %get3A_9 = arith.constant 0 : index
    %get3A_10 = arith.constant 0 : index
    %get3A_11 = vector.load %arg4[%get3A_9, %get3A_10] : memref<1x256xf32, #tpu.memory_space<vmem>>, vector<1x256xf32>
    %add3A = vector.broadcast %get3A_11 : vector<1x256xf32> to vector<256x256xf32>
    %add3A_12 = arith.addf %dot_general3A_8, %add3A : vector<256x256xf32>
    %max3A = arith.constant 0.000000e+00 : f32
    %max3A_13 = vector.broadcast %max3A : f32 to vector<256x256xf32>
    %max3A_14 = arith.maximumf %add3A_12, %max3A_13 : vector<256x256xf32>
    %convert_element_type3A = arith.truncf %max3A_14 : vector<256x256xf32> to vector<256x256xbf16>
    %get3A_15 = arith.constant 0 : index
    %get3A_16 = arith.constant 0 : index
    %get3A_17 = vector.load %arg5[%get3A_15, %get3A_16] : memref<256x2176xbf16, #tpu.memory_space<vmem>>, vector<256x2176xbf16>
    %dot_general3A_18 = arith.constant dense<0.000000e+00> : vector<256x2176xf32>
    %dot_general3A_19 = tpu.matmul %convert_element_type3A, %get3A_17, %dot_general3A_18 {dimension_numbers = #tpu.dot_dimension_numbers<[1], [0], [0], [1], [0, 0, 1, 1], [], []>, transpose_lhs_hint = false} : vector<256x256xbf16>, vector<256x2176xbf16>, vector<256x2176xf32> -> vector<256x2176xf32>
    %get3A_20 = arith.constant 0 : index
    %get3A_21 = arith.constant 0 : index
    %get3A_22 = vector.load %arg6[%get3A_20, %get3A_21] : memref<1x2176xf32, #tpu.memory_space<vmem>>, vector<1x2176xf32>
    %add3A_23 = vector.broadcast %get3A_22 : vector<1x2176xf32> to vector<256x2176xf32>
    %add3A_24 = arith.addf %dot_general3A_19, %add3A_23 : vector<256x2176xf32>
    %convert_element_type3A_25 = arith.truncf %get3A_1 : vector<256x128xf32> to vector<256x128xbf16>
    %get3A_26 = arith.constant 0 : index
    %get3A_27 = arith.constant 0 : index
    %get3A_28 = vector.load %arg7[%get3A_26, %get3A_27] : memref<128x2048xbf16, #tpu.memory_space<vmem>>, vector<128x2048xbf16>
    %dot_general3A_29 = arith.constant dense<0.000000e+00> : vector<256x2048xf32>
    %dot_general3A_30 = tpu.matmul %convert_element_type3A_25, %get3A_28, %dot_general3A_29 {dimension_numbers = #tpu.dot_dimension_numbers<[1], [0], [0], [1], [0, 0, 1, 1], [], []>, transpose_lhs_hint = false} : vector<256x128xbf16>, vector<128x2048xbf16>, vector<256x2048xf32> -> vector<256x2048xf32>
    %convert_element_type3A_31 = arith.truncf %dot_general3A_30 : vector<256x2048xf32> to vector<256x2048xbf16>
    %slice3A = vector.extract_strided_slice %add3A_24 {offsets = [0, 0], sizes = [256, 2048], strides = [1, 1]} : vector<256x2176xf32> to vector<256x2048xf32>
    %convert_element_type3A_32 = arith.truncf %slice3A : vector<256x2048xf32> to vector<256x2048xbf16>
    %mul3A = arith.mulf %convert_element_type3A_32, %convert_element_type3A_31 : vector<256x2048xbf16>
    %get3A_33 = arith.constant 0 : index
    %get3A_34 = arith.constant 0 : index
    %get3A_35 = vector.load %arg8[%get3A_33, %get3A_34] : memref<2048x128xbf16, #tpu.memory_space<vmem>>, vector<2048x128xbf16>
    %dot_general3A_36 = arith.constant dense<0.000000e+00> : vector<256x128xf32>
    %dot_general3A_37 = tpu.matmul %mul3A, %get3A_35, %dot_general3A_36 {dimension_numbers = #tpu.dot_dimension_numbers<[1], [0], [0], [1], [0, 0, 1, 1], [], []>, transpose_lhs_hint = false} : vector<256x2048xbf16>, vector<2048x128xbf16>, vector<256x128xf32> -> vector<256x128xf32>
    %slice3A_38 = vector.extract_strided_slice %add3A_24 {offsets = [0, 2048], sizes = [256, 128], strides = [1, 1]} : vector<256x2176xf32> to vector<256x128xf32>
    %add3A_39 = arith.addf %dot_general3A_37, %slice3A_38 : vector<256x128xf32>
    %swap3A = arith.constant 0 : index
    %swap3A_40 = arith.constant 0 : index
    %swap3A_41 = vector.load %arg9[%swap3A, %swap3A_40] : memref<256x128xf32, #tpu.memory_space<vmem>>, vector<256x128xf32>
    tpu.vector_store %arg9[%swap3A, %swap3A_40], %add3A_39 {strides = array<i32>} : memref<256x128xf32, #tpu.memory_space<vmem>>, vector<256x128xf32>,
    return
  }
  func.func @transform_0(%arg0: i32) -> (i32, i32) {
    %c0_i32 = arith.constant 0 : i32
    %c0_i32_0 = arith.constant 0 : i32
    return %arg0, %c0_i32 : i32, i32
  }
  func.func @transform_1(%arg0: i32) -> (i32, i32) {
    %c0_i32 = arith.constant 0 : i32
    %c0_i32_0 = arith.constant 0 : i32
    return %arg0, %c0_i32 : i32, i32
  }
  func.func @transform_2(%arg0: i32) -> (i32, i32) {
    %c0_i32 = arith.constant 0 : i32
    %c0_i32_0 = arith.constant 0 : i32
    %c0_i32_1 = arith.constant 0 : i32
    return %c0_i32, %c0_i32_0 : i32, i32
  }
  func.func @transform_3(%arg0: i32) -> (i32, i32) {
    %c0_i32 = arith.constant 0 : i32
    %c0_i32_0 = arith.constant 0 : i32
    %c0_i32_1 = arith.constant 0 : i32
    return %c0_i32, %c0_i32_0 : i32, i32
  }
  func.func @transform_4(%arg0: i32) -> (i32, i32) {
    %c0_i32 = arith.constant 0 : i32
    %c0_i32_0 = arith.constant 0 : i32
    %c0_i32_1 = arith.constant 0 : i32
    return %c0_i32, %c0_i32_0 : i32, i32
  }
  func.func @transform_5(%arg0: i32) -> (i32, i32) {
    %c0_i32 = arith.constant 0 : i32
    %c0_i32_0 = arith.constant 0 : i32
    %c0_i32_1 = arith.constant 0 : i32
    return %c0_i32, %c0_i32_0 : i32, i32
  }
  func.func @transform_6(%arg0: i32) -> (i32, i32) {
    %c0_i32 = arith.constant 0 : i32
    %c0_i32_0 = arith.constant 0 : i32
    %c0_i32_1 = arith.constant 0 : i32
    return %c0_i32, %c0_i32_0 : i32, i32
  }
  func.func @transform_7(%arg0: i32) -> (i32, i32) {
    %c0_i32 = arith.constant 0 : i32
    %c0_i32_0 = arith.constant 0 : i32
    %c0_i32_1 = arith.constant 0 : i32
    return %c0_i32, %c0_i32_0 : i32, i32
  }
  func.func @transform_8(%arg0: i32) -> (i32, i32) {
    %c0_i32 = arith.constant 0 : i32
    %c0_i32_0 = arith.constant 0 : i32
    return %arg0, %c0_i32 : i32, i32
  }
}

module attributes {stable_mosaic.version = 14 : i64} {
  func.func @_final_body(%arg0: i32, %arg1: memref<128x8x16xf32, #tpu.memory_space<vmem>>, %arg2: memref<128x8x16xf32, #tpu.memory_space<vmem>>, %arg3: memref<1x16xf32, #tpu.memory_space<vmem>>, %arg4: memref<1x16xf32, #tpu.memory_space<vmem>>, %arg5: memref<16x128xf32, #tpu.memory_space<vmem>>, %arg6: memref<1x128xf32, #tpu.memory_space<vmem>>, %arg7: memref<1024x128xf32, #tpu.memory_space<vmem>>) attributes {dimension_semantics = [#tpu.dimension_semantics<arbitrary>], iteration_bounds = array<i64: 10>, scalar_prefetch = 0 : i64, scratch_operands = 0 : i64, tpu.core_type = #tpu.core_type<tc>, window_params = [{transform_indices = @transform_0, window_bounds = array<i64: 128, 8, 16>}, {transform_indices = @transform_1, window_bounds = array<i64: 128, 8, 16>}, {pipeline_mode = #tpu.pipeline_mode<synchronous>, transform_indices = @transform_2, window_bounds = array<i64: 1, 16>}, {pipeline_mode = #tpu.pipeline_mode<synchronous>, transform_indices = @transform_3, window_bounds = array<i64: 1, 16>}, {pipeline_mode = #tpu.pipeline_mode<synchronous>, transform_indices = @transform_4, window_bounds = array<i64: 16, 128>}, {pipeline_mode = #tpu.pipeline_mode<synchronous>, transform_indices = @transform_5, window_bounds = array<i64: 1, 128>}, {transform_indices = @transform_6, window_bounds = array<i64: 1024, 128>}]} {
    %get3A = arith.constant 0 : index
    %get3A_0 = arith.constant 0 : index
    %get3A_1 = arith.constant 0 : index
    %get3A_2 = vector.load %arg1[%get3A, %get3A_0, %get3A_1] : memref<128x8x16xf32, #tpu.memory_space<vmem>>, vector<128x8x16xf32>
    %get3A_3 = arith.constant 0 : index
    %get3A_4 = arith.constant 0 : index
    %get3A_5 = arith.constant 0 : index
    %get3A_6 = vector.load %arg2[%get3A_3, %get3A_4, %get3A_5] : memref<128x8x16xf32, #tpu.memory_space<vmem>>, vector<128x8x16xf32>
    %add3A = arith.addf %get3A_2, %get3A_6 : vector<128x8x16xf32>
    %reshape3A = vector.shape_cast %add3A : vector<128x8x16xf32> to vector<1024x16xf32>
    %get3A_7 = arith.constant 0 : index
    %get3A_8 = arith.constant 0 : index
    %get3A_9 = vector.load %arg3[%get3A_7, %get3A_8] : memref<1x16xf32, #tpu.memory_space<vmem>>, vector<1x16xf32>
    %mul3A = vector.broadcast %get3A_9 : vector<1x16xf32> to vector<1024x16xf32>
    %mul3A_10 = arith.mulf %reshape3A, %mul3A : vector<1024x16xf32>
    %get3A_11 = arith.constant 0 : index
    %get3A_12 = arith.constant 0 : index
    %get3A_13 = vector.load %arg4[%get3A_11, %get3A_12] : memref<1x16xf32, #tpu.memory_space<vmem>>, vector<1x16xf32>
    %add3A_14 = vector.broadcast %get3A_13 : vector<1x16xf32> to vector<1024x16xf32>
    %add3A_15 = arith.addf %mul3A_10, %add3A_14 : vector<1024x16xf32>
    %max3A = arith.constant 0.000000e+00 : f32
    %max3A_16 = vector.broadcast %max3A : f32 to vector<1024x16xf32>
    %max3A_17 = arith.maximumf %add3A_15, %max3A_16 : vector<1024x16xf32>
    %get3A_18 = arith.constant 0 : index
    %get3A_19 = arith.constant 0 : index
    %get3A_20 = vector.load %arg5[%get3A_18, %get3A_19] : memref<16x128xf32, #tpu.memory_space<vmem>>, vector<16x128xf32>
    %dot_general3A = arith.constant dense<0.000000e+00> : vector<1024x128xf32>
    %dot_general3A_21 = tpu.matmul %max3A_17, %get3A_20, %dot_general3A {dimension_numbers = #tpu.dot_dimension_numbers<[1], [0], [0], [1], [0, 0, 1, 1], [], []>, transpose_lhs_hint = false} : vector<1024x16xf32>, vector<16x128xf32>, vector<1024x128xf32> -> vector<1024x128xf32>
    %get3A_22 = arith.constant 0 : index
    %get3A_23 = arith.constant 0 : index
    %get3A_24 = vector.load %arg6[%get3A_22, %get3A_23] : memref<1x128xf32, #tpu.memory_space<vmem>>, vector<1x128xf32>
    %add3A_25 = vector.broadcast %get3A_24 : vector<1x128xf32> to vector<1024x128xf32>
    %add3A_26 = arith.addf %dot_general3A_21, %add3A_25 : vector<1024x128xf32>
    %swap3A = arith.constant 0 : index
    %swap3A_27 = arith.constant 0 : index
    %swap3A_28 = vector.load %arg7[%swap3A, %swap3A_27] : memref<1024x128xf32, #tpu.memory_space<vmem>>, vector<1024x128xf32>
    tpu.vector_store %arg7[%swap3A, %swap3A_27], %add3A_26 {strides = array<i32>} : memref<1024x128xf32, #tpu.memory_space<vmem>>, vector<1024x128xf32>,
    return
  }
  func.func @transform_0(%arg0: i32) -> (i32, i32, i32) {
    %c0_i32 = arith.constant 0 : i32
    %c0_i32_0 = arith.constant 0 : i32
    %c0_i32_1 = arith.constant 0 : i32
    return %arg0, %c0_i32, %c0_i32_0 : i32, i32, i32
  }
  func.func @transform_1(%arg0: i32) -> (i32, i32, i32) {
    %c0_i32 = arith.constant 0 : i32
    %c0_i32_0 = arith.constant 0 : i32
    %c0_i32_1 = arith.constant 0 : i32
    return %arg0, %c0_i32, %c0_i32_0 : i32, i32, i32
  }
  func.func @transform_2(%arg0: i32) -> (i32, i32) {
    %c0_i32 = arith.constant 0 : i32
    %c0_i32_0 = arith.constant 0 : i32
    %c0_i32_1 = arith.constant 0 : i32
    return %c0_i32, %c0_i32_0 : i32, i32
  }
  func.func @transform_3(%arg0: i32) -> (i32, i32) {
    %c0_i32 = arith.constant 0 : i32
    %c0_i32_0 = arith.constant 0 : i32
    %c0_i32_1 = arith.constant 0 : i32
    return %c0_i32, %c0_i32_0 : i32, i32
  }
  func.func @transform_4(%arg0: i32) -> (i32, i32) {
    %c0_i32 = arith.constant 0 : i32
    %c0_i32_0 = arith.constant 0 : i32
    %c0_i32_1 = arith.constant 0 : i32
    return %c0_i32, %c0_i32_0 : i32, i32
  }
  func.func @transform_5(%arg0: i32) -> (i32, i32) {
    %c0_i32 = arith.constant 0 : i32
    %c0_i32_0 = arith.constant 0 : i32
    %c0_i32_1 = arith.constant 0 : i32
    return %c0_i32, %c0_i32_0 : i32, i32
  }
  func.func @transform_6(%arg0: i32) -> (i32, i32) {
    %c0_i32 = arith.constant 0 : i32
    %c0_i32_0 = arith.constant 0 : i32
    return %arg0, %c0_i32 : i32, i32
  }
}

</mosaic_0001>

<sc_bundles>
// kernel: kernel.10.cloned.1.call-start
scs
__scs_entry_jumppad:
0x0: {  	(pc) =	sbr.rel $0x88, $3  }
0x1: {  	(tag) =	ssettag $0x0;
	lr =	simm.s32 $0x1  }
0x2: {  	[smem:$0x3F8E] =	sst lr;
	_ =	strace $0xD0000000  }
0x3: {  	_ = 	snop  }
0x4: {  	_ = 	snop  }
0x5: {  	_ = 	snop  }
0x6: {  	_ = 	snop  }
0x7: {  	_ = 	snop  }
__scs_overlays_trampoline_lowered:
0x8: {  	[smem:$0x3F9D] =	sst s0  }
0x9: {  	[smem:$0x3F9E] =	sst s1  }
0xa: {  	[smem:$0x3F9F] =	sst s2  }
0xb: {  	[smem:$0x3FA0] =	sst s3  }
0xc: {  	[smem:$0x3FA1] =	sst s4  }
0xd: {  	[smem:$0x3FA2] =	sst s5  }
0xe: {  	[smem:$0x3FA3] =	sst s6  }
0xf: {  	[smem:$0x3FA4] =	sst s7  }
0x10: {  	[smem:$0x3FA5] =	sst s8  }
0x11: {  	[smem:$0x3FA6] =	sst s9;
	s0 =	simm.s32 @!p0 $0x0  }
0x12: {  	s1 =	sld [smem:$0x3F8C];
	s0 =	simm.s32 @p0 $0x1  }
0x13: {  	[smem:$0x3FA7] =	sst s0;
	s0 =	simm.s32 @!p1 $0x0  }
0x14: {  	s2 =	sld [smem:$0x3F8B];
	s0 =	simm.s32 @p1 $0x1  }
0x15: {  	[smem:$0x3FA8] =	sst s0;
	s0 =	simm.s32 @!p2 $0x0  }
0x16: {  	s3 =	sld [smem:$0x3FDB];
	s0 =	simm.s32 @p2 $0x1  }
0x17: {  	s4 =	simm.s32 $0x1BF5;
	[smem:$0x3FAA] =	sst s0  }
0x18: {  	s0 =	sld [smem:$0x3F8D];
	_ =	swait.ge [sflag:s4], $0x0  }
0x19: {  	s7 =	sld [smem:$0x3F8E]  }
0x1a: {  	s8 =	sadd.s32 $0xFFFFE003, lr  }
0x1b: {  	s9 =	sadd.s32 $0xFFFFFEF7, lr;
	s5 =	simm.s32 $0xFFFFFFFF;
	p2 =	slt.u32 s8, $0xFFFFF086  }
0x1c: {  	p1 =	slt.u32 s9, $0xF7A;
	s5 =	simm.s32 @!p2 $0x0  }
0x1d: {  	s5 =	simm.s32 @p1 $0x1;
	p0 =	seq.s32 s7, s2  }
0x1e: {  	s7 =	smul.u32 @!p0 $0xF7A, s2;
	p2 =	seq.s32 @!p0 s5, $0x0  }
0x1f: {  	s9 =	smul.u32 $0xF7A, s1;
	s8 =	simm.s32 @!p0 $0x1BF5;
	p2 =	por !p2, p0  }
0x20: {  	[sflag:s8] =	ssyncset.s32 @!p0 $0xFFFFF086;
	s6 =	sadd.s32 @!p0 s3, s7;
	s7 =	simm.s32 @!p0 $0x108  }
0x21: {  	s3 =	sadd.s32 s3, s9;
	s6 =	sadd.s32 @!p0 $0x88, s6;
	s7 =	simm.s32 @p2 $0x1082  }
0x22: {  	[simem:s7], [sflag:s8] =	dma.local @!p0 [hbm:s6], $0xF7A  }
0x23: {  	s9 =	sor.u32 $0xD0000000, s2;
	s6 =	simm.s32 $0x108;
	_ =	swait.ge @!p0 [sflag:s8], $0x0  }
0x24: {  	s3 =	sadd.s32 $0x88, s3;
	s6 =	simm.s32 @!p1 $0x1082;
	[sflag:s4] =	ssyncset.s32 $0xFFFFF086  }
0x25: {  	[simem:s6], [sflag:s4] =	dma.local [hbm:s3], $0xF7A  }
0x26: {  	[smem:$0x3F8E] =	sst s1;
	(tag) =	ssettag s2;
	_ =	strace s9  }
0x27: {  	s1 =	sld [smem:$0x3F9E]  }
0x28: {  	s2 =	sld [smem:$0x3F9F]  }
0x29: {  	s4 =	sld [smem:$0x3FA1]  }
0x2a: {  	p0 =	seq.s32 s5, $0x0;
	s5 =	sld [smem:$0x3FA2]  }
0x2b: {  	s6 =	sld [smem:$0x3FA3]  }
0x2c: {  	s7 =	sld [smem:$0x3FA4]  }
0x2d: {  	s3 =	simm.s32 $0x108;
	s8 =	sld [smem:$0x3FA5]  }
0x2e: {  	s3 =	simm.s32 @!p0 $0x1082;
	s9 =	sld [smem:$0x3FA6]  }
0x2f: {  	lr =	sadd.s32 s0, s3;
	s0 =	sld [smem:$0x3F9D]  }
0x30: {  	s3 =	sld [smem:$0x3FA0]  }
0x31: {  	[smem:$0x3FA9] =	sst s10  }
0x32: {  	s10 =	sld [smem:$0x3FA7];
	_ =	sdelay $0x3  }
0x33: {  	p0 =	seq.s32 s10, $0x1;
	s10 =	sld [smem:$0x3FA9];
	_ =	sdelay $0x3  }
0x34: {  	[smem:$0x3FA9] =	sst s10  }
0x35: {  	s10 =	sld [smem:$0x3FA8];
	_ =	sdelay $0x3  }
0x36: {  	p1 =	seq.s32 s10, $0x1;
	s10 =	sld [smem:$0x3FA9];
	_ =	sdelay $0x3  }
0x37: {  	[smem:$0x3FA9] =	sst s10  }
0x38: {  	s10 =	sld [smem:$0x3FAA]  }
0x39: {  	_ = 	snop;
	(pc) =	sbr.ind lr, $3  }
0x3a: {  	_ = 	snop  }
0x3b: {  	_ = 	snop  }
0x3c: {  	p2 =	seq.s32 s10, $0x1;
	s10 =	sld [smem:$0x3FA9]  }
0x3d: {  	_ =	shalt  }
0x3e: {  	_ =	shalt  }
0x3f: {  	_ =	shalt  }
0x40: {  	_ =	shalt  }
0x41: {  	_ =	shalt  }
0x42: {  	_ =	shalt  }
0x43: {  	_ =	shalt  }
0x44: {  	_ =	shalt  }
0x45: {  	_ =	shalt  }
0x46: {  	_ =	shalt  }
0x47: {  	_ =	shalt  }
0x48: {  	_ =	shalt  }
0x49: {  	_ =	shalt  }
0x4a: {  	_ =	shalt  }
0x4b: {  	_ =	shalt  }
0x4c: {  	_ =	shalt  }
0x4d: {  	_ =	shalt  }
0x4e: {  	_ =	shalt  }
0x4f: {  	_ =	shalt  }
0x50: {  	_ =	shalt  }
0x51: {  	_ =	shalt  }
0x52: {  	_ =	shalt  }
0x53: {  	_ =	shalt  }
0x54: {  	_ =	shalt  }
0x55: {  	_ =	shalt  }
0x56: {  	_ =	shalt  }
0x57: {  	_ =	shalt  }
0x58: {  	_ =	shalt  }
0x59: {  	_ =	shalt  }
0x5a: {  	_ =	shalt  }
0x5b: {  	_ =	shalt  }
0x5c: {  	_ =	shalt  }
0x5d: {  	_ =	shalt  }
0x5e: {  	_ =	shalt  }
0x5f: {  	_ =	shalt  }
0x60: {  	_ =	shalt  }
0x61: {  	_ =	shalt  }
0x62: {  	_ =	shalt  }
0x63: {  	_ =	shalt  }
0x64: {  	_ =	shalt  }
0x65: {  	_ =	shalt  }
0x66: {  	_ =	shalt  }
0x67: {  	_ =	shalt  }
0x68: {  	_ =	shalt  }
0x69: {  	_ =	shalt  }
0x6a: {  	_ =	shalt  }
0x6b: {  	_ =	shalt  }
0x6c: {  	_ =	shalt  }
0x6d: {  	_ =	shalt  }
0x6e: {  	_ =	shalt  }
0x6f: {  	_ =	shalt  }
0x70: {  	_ =	shalt  }
0x71: {  	_ =	shalt  }
0x72: {  	_ =	shalt  }
0x73: {  	_ =	shalt  }
0x74: {  	_ =	shalt  }
0x75: {  	_ =	shalt  }
0x76: {  	_ =	shalt  }
0x77: {  	_ =	shalt  }
0x78: {  	_ =	shalt  }
0x79: {  	_ =	shalt  }
0x7a: {  	_ =	shalt  }
0x7b: {  	_ =	shalt  }
0x7c: {  	_ =	shalt  }
0x7d: {  	_ =	shalt  }
0x7e: {  	_ =	shalt  }
0x7f: {  	_ =	shalt  }
0x80: {  	_ =	shalt  }
0x81: {  	_ =	shalt  }
0x82: {  	_ =	shalt  }
0x83: {  	_ =	shalt  }
0x84: {  	_ =	shalt  }
0x85: {  	_ =	shalt  }
0x86: {  	_ =	shalt  }
0x87: {  	_ =	shalt  }
.Lfunc_end0:
.L_simem_size_0:
called_computation.1_lowered:
.L_overlay_start_0:
0x88: {  	s2 =	sld [smem:$0x3FD9]  }
0x89: {  	s3 =	sld [smem:$0x3FFE];
	_ =	sdelay $0x1  }
0x8a: {  	s1 =	srdreg.scid  }
0x8b: {  	s0 =	sand.u32 $0x1, s1  }
0x8c: {  	s17 =	sshll.u32 s0, $0xA;
	s2 =	sadd.s32 s3, s2  }
0x8d: {  	s2 =	sadd.s32 s2, s17  }
0x8e: {  	[smem:$0x3FB5] =	sst s2  }
0x8f: {  	_ = 	snop  }
0x90: {  	s2 =	sld [smem:$0x3FD0];
	(tm) =	ssettm $0x1  }
0x91: {  	s18 =	sld [smem:$0x3FFB];
	_ =	sdelay $0x3  }
0x92: {  	_ =	strace s18  }
0x93: {  	s3 =	sld [smem:$0x3FFC];
	_ =	sdelay $0x3  }
0x94: {  	_ =	strace s3  }
0x95: {  	s3 =	sld [smem:$0x3FFD];
	_ =	sdelay $0x3  }
0x96: {  	_ =	strace s3  }
0x97: {  	_ =	strace $0x8FFFFFFF  }
0x98: {  	s19 =	sld [smem:$0x3FDB];
	_ =	sdelay $0x1  }
0x99: {  	s4 =	simm.s32 $_scs_section_size  }
0x9a: {  	s5 =	simm.s32 $_size__tile_overlayer_lowered;
	s6 =	simm.s32 $_tile_overlayer_lowered  }
0x9b: {  	s22 =	simm.s32 $0x1BFF;
	s21 =	sshll.u32 s6, $0x1;
	s3 =	sadd.s32 s4, s19  }
0x9c: {  	s7 =	simm.s32 $0x0;
	s20 =	sshll.u32 s5, $0x1;
	s5 =	sadd.s32 s21, s3  }
0x9d: {  	[timem:s7], [sflag:s22] =	dma.local [hbm:s5], s20  }
0x9e: {  	_ =	swait.ge [sflag:s22], s20  }
0x9f: {  	s4 =	ssub.s32 $0x0, s20;
	[sflag:s22] =	ssyncset.done $0x0  }
0xa0: {  	[sflag:s22] =	ssyncadd.s32 s4;
	_ =	sdelay $0x1  }
0xa1: {  	s23 =	simm.s32 $0x1B8B  }
0xa2: {  	_ =	swait.ge [sflag:s23], $0x1  }
0xa3: {  	[sflag:s23] =	ssyncset.done $0x0  }
0xa4: {  	s25 =	simm.s32 $0x1B8E;
	s24 =	sld [smem:$0x3FFE];
	[sflag:s23] =	ssyncadd.s32 $0xFFFFFFFF  }
0xa5: {  	s26 =	simm.s32 $execute0_lowered;
	[smem:$0x3FD2] =	sst s25  }
0xa6: {  	s5 =	sshll.u32 s26, $0x1;
	_ =	strace $0x80000049;
	[dreg:$0x1] =	wrdreg $0xFFFFFFFF  }
0xa7: {  	s28 =	simm.s32 $_size_execute0_lowered;
	s3 =	sadd.s32 s3, s5;
	[dreg:$0x0] =	wrdreg $0x0  }
0xa8: {  	s5 =	sshll.u32 s28, $0x1;
	[dreg:$0x2] =	wrdreg s3  }
0xa9: {  	[dreg:$0x3] =	wrdreg s5  }
0xaa: {  	[dreg:$0x4] =	wrdreg $0xC0  }
0xab: {  	_ =	task [dreg:s7], $0x5FFFF  }
0xac: {  	[dreg:$0x1] =	wrdreg $0xFFFFFFFF  }
0xad: {  	[dreg:$0x0] =	wrdreg $0x60  }
0xae: {  	[dreg:$0x2] =	wrdreg s24  }
0xaf: {  	[dreg:$0x3] =	wrdreg s2  }
0xb0: {  	[dreg:$0x4] =	wrdreg $0x88000  }
0xb1: {  	[dreg:$0x5] =	wrdreg $0x9  }
0xb2: {  	_ =	task.clear_ibuf [dreg:s7], $0x6FFFF;
	_ =	strace $0x90000049  }
0xb3: {  	s29 =	simm.s32 $0x9;
	_ =	strace $0x8000004B  }
0xb4: {  	_ =	swait.ge [sflag:s29], $0x1  }
0xb5: {  	[sflag:s29] =	ssyncadd.s32 $0xFFFFFFFF  }
0xb6: {  	_ =	strace $0x9000004B  }
0xb7: {  	_ =	sfence  }
0xb8: {  	s30 =	sld [smem:$0x0];
	_ =	sdelay $0x2  }
0xb9: {  	s31 =	sshll.u32 s1, $0xD;
	s1 =	sshrl.u32 s1, $0x2  }
0xba: {  	s3 =	sand.u32 $0x4000, s31;
	s1 =	sadd.s32 s1, s30  }
0xbb: {  	s0 =	sor.u32 s3, s0;
	s1 =	sshll.u32 s1, $0x11  }
0xbc: {  	s0 =	sor.u32 s1, s0  }
0xbd: {  	s0 =	sadd.s32 $0x8F2B, s0  }
0xbe: {  	[sflag:s0] =	ssyncadd.remote.s32 $0x1  }
0xbf: {  	_ =	sfence.sel $0xFFFF  }
0xc0: {  	[dreg:$0x0] =	wrdreg $0xFFFFFFFF;
	(pc) =	sbr.abs _section_cstart, $3  }
0xc1: {  	[dreg:$0x1] =	wrdreg $0xFFFFFFFF  }
0xc2: {  	_ =	task.clear_ibuf [dreg:s7], $0x2FFFF;
	_ =	strace $0x9FFFFFFF  }
0xc3: {  	(tm) =	ssettm $0x7FFFFFFF  }
tec
execute0_lowered:
.L_overlay_start_1:
0x0: {  	(tag) =	ssettag $0x1  }
0x1: {  	s0 =	rddreg [dreg:$0x0];
	s11 =	stileid.u32  }
0x2: {  	s2 =	srdreg.scid;
	s4 =	rddreg [dreg:$0x1]  }
0x3: {  	s3 =	simm.s32 $0x0;
	s18 =	simm.s32 $0x1000;
	s19 =	simm.s32 $0x100  }
0x4: {  	s20 =	simm.s32 $0x1800;
	s21 =	simm.s32 $0x180;
	s22 =	simm.s32 $0x2000  }
0x5: {  	s23 =	simm.s32 $0x200;
	s24 =	simm.s32 $0x2800;
	s25 =	simm.s32 $0x280  }
0x6: {  	s12 =	simm.s32 $0x3000;
	s13 =	simm.s32 $0x300;
	s14 =	simm.s32 $0x3800  }
0x7: {  	s15 =	simm.s32 $0x380;
	s5 =	sand.u32 $0x1, s2;
	s2 =	rddreg [dreg:$0x2]  }
0x8: {  	s16 =	simm.s32 $0x4000;
	s17 =	simm.s32 $0x400;
	[smem:$0x7FF] =	sst s3  }
0x9: {  	s28 =	simm.s32 $0x6800;
	_ =	strace $0x8000004A;
	[dreg:$0x5] =	wrdreg s18  }
0xa: {  	s29 =	simm.s32 $0x680;
	s1 =	smul.u32 $0xA000, s11;
	[dreg:$0x6] =	wrdreg s19  }
0xb: {  	s30 =	simm.s32 $0x7000;
	s6 =	smul.u32 $0x5000, s11;
	[dreg:$0x7] =	wrdreg s20  }
0xc: {  	s31 =	simm.s32 $0x700;
	s9 =	smul.u32 $0x2800, s11;
	[dreg:$0x8] =	wrdreg s21  }
0xd: {  	p0 =	sne.s32 s11, $0x0;
	s7 =	smul.u32 $0x2800, s5;
	[dreg:$0x9] =	wrdreg s22  }
0xe: {  	s11 =	simm.s32 $0x80;
	s8 =	smul.u32 $0x28000, s5;
	[dreg:$0xa] =	wrdreg s23  }
0xf: {  	s26 =	ssub.s32 $0x2, s5;
	s5 =	smul.u32 $0x5000, s5;
	[dreg:$0xb] =	wrdreg s24  }
0x10: {  	[dreg:$0xc] =	wrdreg s25;
	s18 =	simm.s32 $0x4800;
	s19 =	simm.s32 $0x480  }
0x11: {  	s20 =	simm.s32 $0x5000;
	s21 =	simm.s32 $0x500;
	s22 =	simm.s32 $0x5800  }
0x12: {  	s23 =	simm.s32 $0x580;
	s24 =	simm.s32 $0x6000;
	s1 =	sadd.s32 s1, s0  }
0x13: {  	s10 =	sshrl.u32 s26, $0x1;
	s6 =	sadd.s32 s7, s6;
	s8 =	sadd.s32 s9, s8  }
0x14: {  	s7 =	ssub.s32 s26, s10;
	s1 =	sadd.s32 s5, s1;
	s10 =	simm.s32 $0x800  }
0x15: {  	s6 =	sshrl.u32 s6, $0x3;
	s8 =	sshrl.u32 s8, $0x3;
	s1 =	sadd.s32 $0x153200, s1  }
0x16: {  	s6 =	sadd.s32 s6, s0;
	s0 =	sadd.s32 $0x4200, s0;
	[dreg:$0x10] =	wrdreg s1  }
0x17: {  	s5 =	simm.s32 $0x0;
	s4 =	sadd.s32 s4, s8;
	[dreg:$0xd] =	wrdreg s0  }
0x18: {  	s8 =	sadd.s32 s9, s2;
	s1 =	sshrl.u32 @!p0 s2, $0x3;
	[dreg:$0xe] =	wrdreg s4  }
0x19: {  	s9 =	simm.s32 $0x1;
	s0 =	smax.u32 s7, $0x1;
	[dreg:$0x11] =	wrdreg s1  }
0x1a: {  	s6 =	sadd.s32 $0x149200, s6;
	s26 =	sshrl.u32 s8, $0x3;
	[dreg:$0xf] =	wrdreg s0  }
0x1b: {  	s1 =	simm.s32 $0x7800;
	s4 =	simm.s32 $0x8000;
	[dreg:$0x4] =	wrdreg s6  }
0x1c: {  	[dreg:$0x12] =	wrdreg s26;
	s26 =	simm.s32 $0x600;
	s0 =	simm.s32 $0x780  }
.LBB2_1:
0x1d: {  	s7 =	rddreg [dreg:$0xd]  }
0x1e: {  	s6 =	simm.s32 @!p0 $0x1C01;
	s8 =	rddreg [dreg:$0x11]  }
0x1f: {  	[spmem:s8], [sflag:s6] =	dma.local @!p0 [hbm:s7], $0x5000  }
0x20: {  	s6 =	simm.s32 @!p0 $0x1  }
0x21: {  	_ =	swait.ge @!p0 [sflag:s6], $0x5000  }
0x22: {  	[sflag:s6] =	ssyncset.done @!p0 $0x0  }
0x23: {  	[sflag:s6] =	ssyncadd.s32 @!p0 $0xFFFFB000  }
0x24: {  	[bflag:$0x0] =	sbarrier.arrive $0xFFFF  }
0x25: {  	s8 =	rddreg [dreg:$0x4]  }
0x26: {  	s6 =	sadd.s32 $0x0, s8  }
0x27: {  	[tilespmem:s3], [sflag:$0x1] =	stream.linear.gather [hbm4b:s6+s3], $0x800, $0x38;
	[tilespmem:$0xB000] =	vst v63  }
0x28: {  	_ =	swait.ge [sflag:s9], $0x800  }
0x29: {  	[sflag:s9] =	ssyncset.done $0x0  }
0x2a: {  	s7 =	rddreg [dreg:$0x10];
	[sflag:s9] =	ssyncadd.s32 $0xFFFFF800  }
0x2b: {  	[tilespmem:s10], [sflag:$0x1] =	stream.linear.gather [hbm4b:s7+s3], $0x8000, $0x38;
	[tilespmem:$0xB000] =	vst v63  }
0x2c: {  	_ =	swait.ge [sflag:s9], $0x8000  }
0x2d: {  	[sflag:s9] =	ssyncset.done $0x0  }
0x2e: {  	[sflag:s9] =	ssyncadd.s32 $0xFFFF8000  }
0x2f: {  	[spmem:s2] =	stream.indirect.scatter.add.f32 [tilespmem:s10], [sflag:$0x1], $0x10, s3, s11, $0xb8;
	[tilespmem:$0xB000] =	vst v63  }
0x30: {  	_ =	swait.ge [sflag:s9], $0x800  }
0x31: {  	[sflag:s9] =	ssyncset.done $0x0  }
0x32: {  	s25 =	rddreg [dreg:$0x5];
	[sflag:s9] =	ssyncadd.s32 $0xFFFFF800  }
0x33: {  	[spmem:s2] =	stream.indirect.scatter.add.f32 [tilespmem:s25], [sflag:$0x1], $0x10, s11, s11, $0xb8;
	[tilespmem:$0xB000] =	vst v63  }
0x34: {  	_ =	swait.ge [sflag:s9], $0x800  }
0x35: {  	s8 =	rddreg [dreg:$0x6];
	[sflag:s9] =	ssyncset.done $0x0  }
0x36: {  	s25 =	rddreg [dreg:$0x7];
	[sflag:s9] =	ssyncadd.s32 $0xFFFFF800  }
0x37: {  	[spmem:s2] =	stream.indirect.scatter.add.f32 [tilespmem:s25], [sflag:$0x1], $0x10, s8, s11, $0xb8;
	[tilespmem:$0xB000] =	vst v63  }
0x38: {  	_ =	swait.ge [sflag:s9], $0x800  }
0x39: {  	s8 =	rddreg [dreg:$0x8];
	[sflag:s9] =	ssyncset.done $0x0  }
0x3a: {  	s25 =	rddreg [dreg:$0x9];
	[sflag:s9] =	ssyncadd.s32 $0xFFFFF800  }
0x3b: {  	[spmem:s2] =	stream.indirect.scatter.add.f32 [tilespmem:s25], [sflag:$0x1], $0x10, s8, s11, $0xb8;
	[tilespmem:$0xB000] =	vst v63  }
0x3c: {  	_ =	swait.ge [sflag:s9], $0x800  }
0x3d: {  	s8 =	rddreg [dreg:$0xa];
	[sflag:s9] =	ssyncset.done $0x0  }
0x3e: {  	s25 =	rddreg [dreg:$0xb];
	[sflag:s9] =	ssyncadd.s32 $0xFFFFF800  }
0x3f: {  	[spmem:s2] =	stream.indirect.scatter.add.f32 [tilespmem:s25], [sflag:$0x1], $0x10, s8, s11, $0xb8;
	[tilespmem:$0xB000] =	vst v63  }
0x40: {  	_ =	swait.ge [sflag:s9], $0x800  }
0x41: {  	[sflag:s9] =	ssyncset.done $0x0  }
0x42: {  	s25 =	rddreg [dreg:$0xc];
	[sflag:s9] =	ssyncadd.s32 $0xFFFFF800  }
0x43: {  	[spmem:s2] =	stream.indirect.scatter.add.f32 [tilespmem:s12], [sflag:$0x1], $0x10, s25, s11, $0xb8;
	[tilespmem:$0xB000] =	vst v63  }
0x44: {  	_ =	swait.ge [sflag:s9], $0x800  }
0x45: {  	[sflag:s9] =	ssyncset.done $0x0  }
0x46: {  	[sflag:s9] =	ssyncadd.s32 $0xFFFFF800  }
0x47: {  	[spmem:s2] =	stream.indirect.scatter.add.f32 [tilespmem:s14], [sflag:$0x1], $0x10, s13, s11, $0xb8;
	[tilespmem:$0xB000] =	vst v63  }
0x48: {  	_ =	swait.ge [sflag:s9], $0x800  }
0x49: {  	[sflag:s9] =	ssyncset.done $0x0  }
0x4a: {  	[sflag:s9] =	ssyncadd.s32 $0xFFFFF800  }
0x4b: {  	[spmem:s2] =	stream.indirect.scatter.add.f32 [tilespmem:s16], [sflag:$0x1], $0x10, s15, s11, $0xb8;
	[tilespmem:$0xB000] =	vst v63  }
0x4c: {  	_ =	swait.ge [sflag:s9], $0x800  }
0x4d: {  	[sflag:s9] =	ssyncset.done $0x0  }
0x4e: {  	[sflag:s9] =	ssyncadd.s32 $0xFFFFF800  }
0x4f: {  	[spmem:s2] =	stream.indirect.scatter.add.f32 [tilespmem:s18], [sflag:$0x1], $0x10, s17, s11, $0xb8;
	[tilespmem:$0xB000] =	vst v63  }
0x50: {  	_ =	swait.ge [sflag:s9], $0x800  }
0x51: {  	[sflag:s9] =	ssyncset.done $0x0  }
0x52: {  	[sflag:s9] =	ssyncadd.s32 $0xFFFFF800  }
0x53: {  	[spmem:s2] =	stream.indirect.scatter.add.f32 [tilespmem:s20], [sflag:$0x1], $0x10, s19, s11, $0xb8;
	[tilespmem:$0xB000] =	vst v63  }
0x54: {  	_ =	swait.ge [sflag:s9], $0x800  }
0x55: {  	[sflag:s9] =	ssyncset.done $0x0  }
0x56: {  	[sflag:s9] =	ssyncadd.s32 $0xFFFFF800  }
0x57: {  	[spmem:s2] =	stream.indirect.scatter.add.f32 [tilespmem:s22], [sflag:$0x1], $0x10, s21, s11, $0xb8;
	[tilespmem:$0xB000] =	vst v63  }
0x58: {  	_ =	swait.ge [sflag:s9], $0x800  }
0x59: {  	[sflag:s9] =	ssyncset.done $0x0  }
0x5a: {  	[sflag:s9] =	ssyncadd.s32 $0xFFFFF800  }
0x5b: {  	[spmem:s2] =	stream.indirect.scatter.add.f32 [tilespmem:s24], [sflag:$0x1], $0x10, s23, s11, $0xb8;
	[tilespmem:$0xB000] =	vst v63  }
0x5c: {  	_ =	swait.ge [sflag:s9], $0x800  }
0x5d: {  	[sflag:s9] =	ssyncset.done $0x0  }
0x5e: {  	[sflag:s9] =	ssyncadd.s32 $0xFFFFF800  }
0x5f: {  	[spmem:s2] =	stream.indirect.scatter.add.f32 [tilespmem:s28], [sflag:$0x1], $0x10, s26, s11, $0xb8;
	[tilespmem:$0xB000] =	vst v63  }
0x60: {  	_ =	swait.ge [sflag:s9], $0x800  }
0x61: {  	[sflag:s9] =	ssyncset.done $0x0  }
0x62: {  	[sflag:s9] =	ssyncadd.s32 $0xFFFFF800  }
0x63: {  	[spmem:s2] =	stream.indirect.scatter.add.f32 [tilespmem:s30], [sflag:$0x1], $0x10, s29, s11, $0xb8;
	[tilespmem:$0xB000] =	vst v63  }
0x64: {  	_ =	swait.ge [sflag:s9], $0x800  }
0x65: {  	[sflag:s9] =	ssyncset.done $0x0  }
0x66: {  	[sflag:s9] =	ssyncadd.s32 $0xFFFFF800  }
0x67: {  	[spmem:s2] =	stream.indirect.scatter.add.f32 [tilespmem:s1], [sflag:$0x1], $0x10, s31, s11, $0xb8;
	[tilespmem:$0xB000] =	vst v63  }
0x68: {  	_ =	swait.ge [sflag:s9], $0x800  }
0x69: {  	[sflag:s9] =	ssyncset.done $0x0  }
0x6a: {  	s6 =	simm.s32 $0x100;
	s8 =	sadd.s32 $0x1000, s7;
	[sflag:s9] =	ssyncadd.s32 $0xFFFFF800  }
.LBB2_2:
0x6b: {  	[spmem:s2] =	stream.indirect.scatter.add.f32 [tilespmem:s4], [sflag:$0x1], $0x10, s0, s11, $0xb8;
	[tilespmem:$0xB000] =	vst v63  }
0x6c: {  	_ =	swait.ge [sflag:s9], $0x800  }
0x6d: {  	s25 =	smov.u32 s6;
	s7 =	rddreg [dreg:$0x4];
	[sflag:s9] =	ssyncset.done $0x0  }
0x6e: {  	[sflag:s9] =	ssyncadd.s32 $0xFFFFF800;
	s7 =	sadd.s32 s25, s7  }
0x6f: {  	[tilespmem:s3], [sflag:$0x1] =	stream.linear.gather [hbm4b:s7+s3], $0x800, $0x38;
	[tilespmem:$0xB000] =	vst v63  }
0x70: {  	_ =	swait.ge [sflag:s9], $0x800  }
0x71: {  	[sflag:s9] =	ssyncset.done $0x0  }
0x72: {  	[sflag:s9] =	ssyncadd.s32 $0xFFFFF800  }
0x73: {  	[tilespmem:s10], [sflag:$0x1] =	stream.linear.gather [hbm4b:s8+s3], $0x8000, $0x38;
	[tilespmem:$0xB000] =	vst v63  }
0x74: {  	_ =	swait.ge [sflag:s9], $0x8000  }
0x75: {  	[sflag:s9] =	ssyncset.done $0x0  }
0x76: {  	[sflag:s9] =	ssyncadd.s32 $0xFFFF8000  }
0x77: {  	[spmem:s2] =	stream.indirect.scatter.add.f32 [tilespmem:s10], [sflag:$0x1], $0x10, s3, s11, $0xb8;
	[tilespmem:$0xB000] =	vst v63  }
0x78: {  	_ =	swait.ge [sflag:s9], $0x800  }
0x79: {  	[sflag:s9] =	ssyncset.done $0x0  }
0x7a: {  	s25 =	rddreg [dreg:$0x5];
	[sflag:s9] =	ssyncadd.s32 $0xFFFFF800  }
0x7b: {  	[spmem:s2] =	stream.indirect.scatter.add.f32 [tilespmem:s25], [sflag:$0x1], $0x10, s11, s11, $0xb8;
	[tilespmem:$0xB000] =	vst v63  }
0x7c: {  	_ =	swait.ge [sflag:s9], $0x800  }
0x7d: {  	s7 =	rddreg [dreg:$0x6];
	[sflag:s9] =	ssyncset.done $0x0  }
0x7e: {  	s25 =	rddreg [dreg:$0x7];
	[sflag:s9] =	ssyncadd.s32 $0xFFFFF800  }
0x7f: {  	[spmem:s2] =	stream.indirect.scatter.add.f32 [tilespmem:s25], [sflag:$0x1], $0x10, s7, s11, $0xb8;
	[tilespmem:$0xB000] =	vst v63  }
0x80: {  	_ =	swait.ge [sflag:s9], $0x800  }
0x81: {  	[sflag:s9] =	ssyncset.done $0x0;
	s7 =	rddreg [dreg:$0x8]  }
0x82: {  	s25 =	rddreg [dreg:$0x9];
	[sflag:s9] =	ssyncadd.s32 $0xFFFFF800  }
0x83: {  	[spmem:s2] =	stream.indirect.scatter.add.f32 [tilespmem:s25], [sflag:$0x1], $0x10, s7, s11, $0xb8;
	[tilespmem:$0xB000] =	vst v63  }
0x84: {  	_ =	swait.ge [sflag:s9], $0x800  }
0x85: {  	[sflag:s9] =	ssyncset.done $0x0;
	s7 =	rddreg [dreg:$0xa]  }
0x86: {  	s25 =	rddreg [dreg:$0xb];
	[sflag:s9] =	ssyncadd.s32 $0xFFFFF800  }
0x87: {  	[spmem:s2] =	stream.indirect.scatter.add.f32 [tilespmem:s25], [sflag:$0x1], $0x10, s7, s11, $0xb8;
	[tilespmem:$0xB000] =	vst v63  }
0x88: {  	_ =	swait.ge [sflag:s9], $0x800  }
0x89: {  	[sflag:s9] =	ssyncset.done $0x0  }
0x8a: {  	s25 =	rddreg [dreg:$0xc];
	[sflag:s9] =	ssyncadd.s32 $0xFFFFF800  }
0x8b: {  	[spmem:s2] =	stream.indirect.scatter.add.f32 [tilespmem:s12], [sflag:$0x1], $0x10, s25, s11, $0xb8;
	[tilespmem:$0xB000] =	vst v63  }
0x8c: {  	_ =	swait.ge [sflag:s9], $0x800  }
0x8d: {  	[sflag:s9] =	ssyncset.done $0x0  }
0x8e: {  	[sflag:s9] =	ssyncadd.s32 $0xFFFFF800  }
0x8f: {  	[spmem:s2] =	stream.indirect.scatter.add.f32 [tilespmem:s14], [sflag:$0x1], $0x10, s13, s11, $0xb8;
	[tilespmem:$0xB000] =	vst v63  }
0x90: {  	_ =	swait.ge [sflag:s9], $0x800  }
0x91: {  	[sflag:s9] =	ssyncset.done $0x0  }
0x92: {  	[sflag:s9] =	ssyncadd.s32 $0xFFFFF800  }
0x93: {  	[spmem:s2] =	stream.indirect.scatter.add.f32 [tilespmem:s16], [sflag:$0x1], $0x10, s15, s11, $0xb8;
	[tilespmem:$0xB000] =	vst v63  }
0x94: {  	_ =	swait.ge [sflag:s9], $0x800  }
0x95: {  	[sflag:s9] =	ssyncset.done $0x0  }
0x96: {  	[sflag:s9] =	ssyncadd.s32 $0xFFFFF800  }
0x97: {  	[spmem:s2] =	stream.indirect.scatter.add.f32 [tilespmem:s18], [sflag:$0x1], $0x10, s17, s11, $0xb8;
	[tilespmem:$0xB000] =	vst v63  }
0x98: {  	_ =	swait.ge [sflag:s9], $0x800  }
0x99: {  	[sflag:s9] =	ssyncset.done $0x0  }
0x9a: {  	[sflag:s9] =	ssyncadd.s32 $0xFFFFF800  }
0x9b: {  	[spmem:s2] =	stream.indirect.scatter.add.f32 [tilespmem:s20], [sflag:$0x1], $0x10, s19, s11, $0xb8;
	[tilespmem:$0xB000] =	vst v63  }
0x9c: {  	_ =	swait.ge [sflag:s9], $0x800  }
0x9d: {  	[sflag:s9] =	ssyncset.done $0x0  }
0x9e: {  	[sflag:s9] =	ssyncadd.s32 $0xFFFFF800  }
0x9f: {  	[spmem:s2] =	stream.indirect.scatter.add.f32 [tilespmem:s22], [sflag:$0x1], $0x10, s21, s11, $0xb8;
	[tilespmem:$0xB000] =	vst v63  }
0xa0: {  	_ =	swait.ge [sflag:s9], $0x800  }
0xa1: {  	[sflag:s9] =	ssyncset.done $0x0  }
0xa2: {  	[sflag:s9] =	ssyncadd.s32 $0xFFFFF800  }
0xa3: {  	[spmem:s2] =	stream.indirect.scatter.add.f32 [tilespmem:s24], [sflag:$0x1], $0x10, s23, s11, $0xb8;
	[tilespmem:$0xB000] =	vst v63  }
0xa4: {  	_ =	swait.ge [sflag:s9], $0x800  }
0xa5: {  	[sflag:s9] =	ssyncset.done $0x0  }
0xa6: {  	[sflag:s9] =	ssyncadd.s32 $0xFFFFF800  }
0xa7: {  	[spmem:s2] =	stream.indirect.scatter.add.f32 [tilespmem:s28], [sflag:$0x1], $0x10, s26, s11, $0xb8;
	[tilespmem:$0xB000] =	vst v63  }
0xa8: {  	_ =	swait.ge [sflag:s9], $0x800  }
0xa9: {  	[sflag:s9] =	ssyncset.done $0x0  }
0xaa: {  	[sflag:s9] =	ssyncadd.s32 $0xFFFFF800  }
0xab: {  	[spmem:s2] =	stream.indirect.scatter.add.f32 [tilespmem:s30], [sflag:$0x1], $0x10, s29, s11, $0xb8;
	[tilespmem:$0xB000] =	vst v63  }
0xac: {  	_ =	swait.ge [sflag:s9], $0x800  }
0xad: {  	p1 =	sne.s32 s6, $0x400;
	[sflag:s9] =	ssyncset.done $0x0  }
.Ltmp0:
0xae: {  	[sflag:s9] =	ssyncadd.s32 $0xFFFFF800;
	(pc) =	sbr.rel @p1 .LBB2_2-.Ltmp0, $4  }
0xaf: {  	[spmem:s2] =	stream.indirect.scatter.add.f32 [tilespmem:s1], [sflag:$0x1], $0x10, s31, s11, $0xb8;
	[tilespmem:$0xB000] =	vst v63  }
0xb0: {  	_ =	swait.ge [sflag:s9], $0x800  }
0xb1: {  	[sflag:s9] =	ssyncset.done $0x0  }
0xb2: {  	s6 =	sadd.s32 $0x100, s6;
	s8 =	sadd.s32 $0x1000, s8;
	[sflag:s9] =	ssyncadd.s32 $0xFFFFF800  }
0xb3: {  	[spmem:s2] =	stream.indirect.scatter.add.f32 [tilespmem:s4], [sflag:$0x1], $0x10, s0, s11, $0xb8;
	[tilespmem:$0xB000] =	vst v63  }
0xb4: {  	_ =	swait.ge [sflag:s9], $0x800  }
0xb5: {  	[sflag:s9] =	ssyncset.done $0x0  }
0xb6: {  	[sflag:s9] =	ssyncadd.s32 $0xFFFFF800  }
0xb7: {  	s6 =	stileid.u32;
	[bflag:$0x0] =	sbarrier.arrive $0xFFFF  }
0xb8: {  	s6 =	sshll.u32 s6, $0x6;
	s7 =	rddreg [dreg:$0xe]  }
0xb9: {  	s6 =	sor.u32 $0x1C01, s6;
	s8 =	rddreg [dreg:$0x12]  }
0xba: {  	[hbm:s7], [sflag:s6] =	dma.local [spmem:s8], $0x500  }
0xbb: {  	_ =	swait.ge [sflag:s9], $0x500  }
0xbc: {  	s5 =	sadd.s32 $0x1, s5;
	s25 =	rddreg [dreg:$0xf]  }
0xbd: {  	p1 =	sne.s32 s5, s25  }
.Ltmp1:
0xbe: {  	_ = 	snop;
	(pc) =	sbr.rel @p1 .LBB2_1-.Ltmp1, $3  }
0xbf: {  	_ =	sdelay $0x1  }
0xc0: {  	[sflag:s9] =	ssyncset.done $0x0  }
0xc1: {  	[sflag:s9] =	ssyncadd.s32 $0xFFFFFB00  }
0xc2: {  	_ =	sfence.sel $0x180000  }
0xc3: {  	[bflag:$0x0] =	sbarrier.arrive $0xFFFF  }
0xc4: {  	_ =	strace $0x9000004A  }
0xc5: {  	[bflag:$0x2] =	sbarrier.arrive $0xFFFF  }
0xc6: {  	s0 =	rddreg [dreg:$0x3]  }
0xc7: {  	s0 =	sadd.s32 @!p0 $0x100000, s0  }
0xc8: {  	[sflag:s0] =	ssyncadd.tile.s32 @!p0 $0x1;
	_ =	shalt  }
.Lfunc_end2:
_tile_overlayer_lowered:
.L_overlay_start_2:
0xc9: {  	(tag) =	ssettag $0x2  }
0xca: {  	s0 =	rddreg [dreg:$0x0];
	s2 =	stileid.u32  }
0xcb: {  	s1 =	rddreg [dreg:$0x1];
	p0 =	sne.s32 s2, $0x0  }
0xcc: {  	s3 =	rddreg [dreg:$0x2];
	[bflag:$0x3] =	sbarrier.arrive $0xFFFF;
	s2 =	simm.s32 @!p0 $0x1C01  }
0xcd: {  	[timem:s3], [sflag:s2] =	dma.local @!p0 [hbm:s0], s1  }
0xce: {  	s0 =	simm.s32 @!p0 $0x1  }
0xcf: {  	_ =	swait.ge @!p0 [sflag:s0], s1  }
0xd0: {  	s1 =	ssub.s32 @!p0 $0x0, s1;
	[sflag:s0] =	ssyncset.done @!p0 $0x0  }
0xd1: {  	[sflag:s0] =	ssyncadd.s32 @!p0 s1  }
0xd2: {  	[bflag:$0x3] =	sbarrier.arrive $0xFFFF  }
0xd3: {  	_ =	shalt  }

// kernel: kernel.7.cloned.1.call-start
scs
__scs_entry_jumppad:
0x0: {  	(pc) =	sbr.rel $0x88, $3  }
0x1: {  	(tag) =	ssettag $0x0;
	lr =	simm.s32 $0x1  }
0x2: {  	[smem:$0x3F8E] =	sst lr;
	_ =	strace $0xD0000000  }
0x3: {  	_ = 	snop  }
0x4: {  	_ = 	snop  }
0x5: {  	_ = 	snop  }
0x6: {  	_ = 	snop  }
0x7: {  	_ = 	snop  }
__scs_overlays_trampoline_lowered:
0x8: {  	[smem:$0x3F9D] =	sst s0  }
0x9: {  	[smem:$0x3F9E] =	sst s1  }
0xa: {  	[smem:$0x3F9F] =	sst s2  }
0xb: {  	[smem:$0x3FA0] =	sst s3  }
0xc: {  	[smem:$0x3FA1] =	sst s4  }
0xd: {  	[smem:$0x3FA2] =	sst s5  }
0xe: {  	[smem:$0x3FA3] =	sst s6  }
0xf: {  	[smem:$0x3FA4] =	sst s7  }
0x10: {  	[smem:$0x3FA5] =	sst s8  }
0x11: {  	[smem:$0x3FA6] =	sst s9;
	s0 =	simm.s32 @!p0 $0x0  }
0x12: {  	s1 =	sld [smem:$0x3F8C];
	s0 =	simm.s32 @p0 $0x1  }
0x13: {  	[smem:$0x3FA7] =	sst s0;
	s0 =	simm.s32 @!p1 $0x0  }
0x14: {  	s2 =	sld [smem:$0x3F8B];
	s0 =	simm.s32 @p1 $0x1  }
0x15: {  	[smem:$0x3FA8] =	sst s0;
	s0 =	simm.s32 @!p2 $0x0  }
0x16: {  	s3 =	sld [smem:$0x3FDB];
	s0 =	simm.s32 @p2 $0x1  }
0x17: {  	s4 =	simm.s32 $0x1BF5;
	[smem:$0x3FAA] =	sst s0  }
0x18: {  	s0 =	sld [smem:$0x3F8D];
	_ =	swait.ge [sflag:s4], $0x0  }
0x19: {  	s7 =	sld [smem:$0x3F8E]  }
0x1a: {  	s8 =	sadd.s32 $0xFFFFE003, lr  }
0x1b: {  	s9 =	sadd.s32 $0xFFFFFEF7, lr;
	s5 =	simm.s32 $0xFFFFFFFF;
	p2 =	slt.u32 s8, $0xFFFFF086  }
0x1c: {  	p1 =	slt.u32 s9, $0xF7A;
	s5 =	simm.s32 @!p2 $0x0  }
0x1d: {  	s5 =	simm.s32 @p1 $0x1;
	p0 =	seq.s32 s7, s2  }
0x1e: {  	s7 =	smul.u32 @!p0 $0xF7A, s2;
	p2 =	seq.s32 @!p0 s5, $0x0  }
0x1f: {  	s9 =	smul.u32 $0xF7A, s1;
	s8 =	simm.s32 @!p0 $0x1BF5;
	p2 =	por !p2, p0  }
0x20: {  	[sflag:s8] =	ssyncset.s32 @!p0 $0xFFFFF086;
	s6 =	sadd.s32 @!p0 s3, s7;
	s7 =	simm.s32 @!p0 $0x108  }
0x21: {  	s3 =	sadd.s32 s3, s9;
	s6 =	sadd.s32 @!p0 $0x88, s6;
	s7 =	simm.s32 @p2 $0x1082  }
0x22: {  	[simem:s7], [sflag:s8] =	dma.local @!p0 [hbm:s6], $0xF7A  }
0x23: {  	s9 =	sor.u32 $0xD0000000, s2;
	s6 =	simm.s32 $0x108;
	_ =	swait.ge @!p0 [sflag:s8], $0x0  }
0x24: {  	s3 =	sadd.s32 $0x88, s3;
	s6 =	simm.s32 @!p1 $0x1082;
	[sflag:s4] =	ssyncset.s32 $0xFFFFF086  }
0x25: {  	[simem:s6], [sflag:s4] =	dma.local [hbm:s3], $0xF7A  }
0x26: {  	[smem:$0x3F8E] =	sst s1;
	(tag) =	ssettag s2;
	_ =	strace s9  }
0x27: {  	s1 =	sld [smem:$0x3F9E]  }
0x28: {  	s2 =	sld [smem:$0x3F9F]  }
0x29: {  	s4 =	sld [smem:$0x3FA1]  }
0x2a: {  	p0 =	seq.s32 s5, $0x0;
	s5 =	sld [smem:$0x3FA2]  }
0x2b: {  	s6 =	sld [smem:$0x3FA3]  }
0x2c: {  	s7 =	sld [smem:$0x3FA4]  }
0x2d: {  	s3 =	simm.s32 $0x108;
	s8 =	sld [smem:$0x3FA5]  }
0x2e: {  	s3 =	simm.s32 @!p0 $0x1082;
	s9 =	sld [smem:$0x3FA6]  }
0x2f: {  	lr =	sadd.s32 s0, s3;
	s0 =	sld [smem:$0x3F9D]  }
0x30: {  	s3 =	sld [smem:$0x3FA0]  }
0x31: {  	[smem:$0x3FA9] =	sst s10  }
0x32: {  	s10 =	sld [smem:$0x3FA7];
	_ =	sdelay $0x3  }
0x33: {  	p0 =	seq.s32 s10, $0x1;
	s10 =	sld [smem:$0x3FA9];
	_ =	sdelay $0x3  }
0x34: {  	[smem:$0x3FA9] =	sst s10  }
0x35: {  	s10 =	sld [smem:$0x3FA8];
	_ =	sdelay $0x3  }
0x36: {  	p1 =	seq.s32 s10, $0x1;
	s10 =	sld [smem:$0x3FA9];
	_ =	sdelay $0x3  }
0x37: {  	[smem:$0x3FA9] =	sst s10  }
0x38: {  	s10 =	sld [smem:$0x3FAA]  }
0x39: {  	_ = 	snop;
	(pc) =	sbr.ind lr, $3  }
0x3a: {  	_ = 	snop  }
0x3b: {  	_ = 	snop  }
0x3c: {  	p2 =	seq.s32 s10, $0x1;
	s10 =	sld [smem:$0x3FA9]  }
0x3d: {  	_ =	shalt  }
0x3e: {  	_ =	shalt  }
0x3f: {  	_ =	shalt  }
0x40: {  	_ =	shalt  }
0x41: {  	_ =	shalt  }
0x42: {  	_ =	shalt  }
0x43: {  	_ =	shalt  }
0x44: {  	_ =	shalt  }
0x45: {  	_ =	shalt  }
0x46: {  	_ =	shalt  }
0x47: {  	_ =	shalt  }
0x48: {  	_ =	shalt  }
0x49: {  	_ =	shalt  }
0x4a: {  	_ =	shalt  }
0x4b: {  	_ =	shalt  }
0x4c: {  	_ =	shalt  }
0x4d: {  	_ =	shalt  }
0x4e: {  	_ =	shalt  }
0x4f: {  	_ =	shalt  }
0x50: {  	_ =	shalt  }
0x51: {  	_ =	shalt  }
0x52: {  	_ =	shalt  }
0x53: {  	_ =	shalt  }
0x54: {  	_ =	shalt  }
0x55: {  	_ =	shalt  }
0x56: {  	_ =	shalt  }
0x57: {  	_ =	shalt  }
0x58: {  	_ =	shalt  }
0x59: {  	_ =	shalt  }
0x5a: {  	_ =	shalt  }
0x5b: {  	_ =	shalt  }
0x5c: {  	_ =	shalt  }
0x5d: {  	_ =	shalt  }
0x5e: {  	_ =	shalt  }
0x5f: {  	_ =	shalt  }
0x60: {  	_ =	shalt  }
0x61: {  	_ =	shalt  }
0x62: {  	_ =	shalt  }
0x63: {  	_ =	shalt  }
0x64: {  	_ =	shalt  }
0x65: {  	_ =	shalt  }
0x66: {  	_ =	shalt  }
0x67: {  	_ =	shalt  }
0x68: {  	_ =	shalt  }
0x69: {  	_ =	shalt  }
0x6a: {  	_ =	shalt  }
0x6b: {  	_ =	shalt  }
0x6c: {  	_ =	shalt  }
0x6d: {  	_ =	shalt  }
0x6e: {  	_ =	shalt  }
0x6f: {  	_ =	shalt  }
0x70: {  	_ =	shalt  }
0x71: {  	_ =	shalt  }
0x72: {  	_ =	shalt  }
0x73: {  	_ =	shalt  }
0x74: {  	_ =	shalt  }
0x75: {  	_ =	shalt  }
0x76: {  	_ =	shalt  }
0x77: {  	_ =	shalt  }
0x78: {  	_ =	shalt  }
0x79: {  	_ =	shalt  }
0x7a: {  	_ =	shalt  }
0x7b: {  	_ =	shalt  }
0x7c: {  	_ =	shalt  }
0x7d: {  	_ =	shalt  }
0x7e: {  	_ =	shalt  }
0x7f: {  	_ =	shalt  }
0x80: {  	_ =	shalt  }
0x81: {  	_ =	shalt  }
0x82: {  	_ =	shalt  }
0x83: {  	_ =	shalt  }
0x84: {  	_ =	shalt  }
0x85: {  	_ =	shalt  }
0x86: {  	_ =	shalt  }
0x87: {  	_ =	shalt  }
.Lfunc_end0:
.L_simem_size_0:
called_computation_lowered:
.L_overlay_start_0:
0x88: {  	s2 =	sld [smem:$0x3FD9]  }
0x89: {  	s3 =	sld [smem:$0x3FFE];
	_ =	sdelay $0x1  }
0x8a: {  	s1 =	srdreg.scid  }
0x8b: {  	s0 =	sand.u32 $0x1, s1  }
0x8c: {  	s17 =	sshll.u32 s0, $0xA;
	s2 =	sadd.s32 s3, s2  }
0x8d: {  	s2 =	sadd.s32 s2, s17  }
0x8e: {  	[smem:$0x3FB5] =	sst s2  }
0x8f: {  	_ = 	snop  }
0x90: {  	s2 =	sld [smem:$0x3FD0];
	(tm) =	ssettm $0x1  }
0x91: {  	s18 =	sld [smem:$0x3FFB];
	_ =	sdelay $0x3  }
0x92: {  	_ =	strace s18  }
0x93: {  	s3 =	sld [smem:$0x3FFC];
	_ =	sdelay $0x3  }
0x94: {  	_ =	strace s3  }
0x95: {  	s3 =	sld [smem:$0x3FFD];
	_ =	sdelay $0x3  }
0x96: {  	_ =	strace s3  }
0x97: {  	_ =	strace $0x8FFFFFFF  }
0x98: {  	s19 =	sld [smem:$0x3FDB];
	_ =	sdelay $0x1  }
0x99: {  	s4 =	simm.s32 $_scs_section_size  }
0x9a: {  	s5 =	simm.s32 $_size__tile_overlayer_lowered;
	s6 =	simm.s32 $_tile_overlayer_lowered  }
0x9b: {  	s22 =	simm.s32 $0x1BFF;
	s21 =	sshll.u32 s6, $0x1;
	s3 =	sadd.s32 s4, s19  }
0x9c: {  	s7 =	simm.s32 $0x0;
	s20 =	sshll.u32 s5, $0x1;
	s5 =	sadd.s32 s21, s3  }
0x9d: {  	[timem:s7], [sflag:s22] =	dma.local [hbm:s5], s20  }
0x9e: {  	_ =	swait.ge [sflag:s22], s20  }
0x9f: {  	s4 =	ssub.s32 $0x0, s20;
	[sflag:s22] =	ssyncset.done $0x0  }
0xa0: {  	[sflag:s22] =	ssyncadd.s32 s4;
	_ =	sdelay $0x1  }
0xa1: {  	s23 =	simm.s32 $0x1B8B  }
0xa2: {  	_ =	swait.ge [sflag:s23], $0x1  }
0xa3: {  	[sflag:s23] =	ssyncset.done $0x0  }
0xa4: {  	s25 =	simm.s32 $0x1B8E;
	s24 =	sld [smem:$0x3FFE];
	[sflag:s23] =	ssyncadd.s32 $0xFFFFFFFF  }
0xa5: {  	s26 =	simm.s32 $execute0_lowered;
	[smem:$0x3FD2] =	sst s25  }
0xa6: {  	s5 =	sshll.u32 s26, $0x1;
	_ =	strace $0x80000046;
	[dreg:$0x1] =	wrdreg $0xFFFFFFFF  }
0xa7: {  	s28 =	simm.s32 $_size_execute0_lowered;
	s3 =	sadd.s32 s3, s5;
	[dreg:$0x0] =	wrdreg $0x0  }
0xa8: {  	s5 =	sshll.u32 s28, $0x1;
	[dreg:$0x2] =	wrdreg s3  }
0xa9: {  	[dreg:$0x3] =	wrdreg s5  }
0xaa: {  	[dreg:$0x4] =	wrdreg $0xC0  }
0xab: {  	_ =	task [dreg:s7], $0x5FFFF  }
0xac: {  	[dreg:$0x1] =	wrdreg $0xFFFFFFFF  }
0xad: {  	[dreg:$0x0] =	wrdreg $0x60  }
0xae: {  	[dreg:$0x2] =	wrdreg s24  }
0xaf: {  	[dreg:$0x3] =	wrdreg s2  }
0xb0: {  	[dreg:$0x4] =	wrdreg $0x88000  }
0xb1: {  	[dreg:$0x5] =	wrdreg $0x9  }
0xb2: {  	_ =	task.clear_ibuf [dreg:s7], $0x6FFFF;
	_ =	strace $0x90000046  }
0xb3: {  	s29 =	simm.s32 $0x9;
	_ =	strace $0x80000048  }
0xb4: {  	_ =	swait.ge [sflag:s29], $0x1  }
0xb5: {  	[sflag:s29] =	ssyncadd.s32 $0xFFFFFFFF  }
0xb6: {  	_ =	strace $0x90000048  }
0xb7: {  	_ =	sfence  }
0xb8: {  	s30 =	sld [smem:$0x0];
	_ =	sdelay $0x2  }
0xb9: {  	s31 =	sshll.u32 s1, $0xD;
	s1 =	sshrl.u32 s1, $0x2  }
0xba: {  	s3 =	sand.u32 $0x4000, s31;
	s1 =	sadd.s32 s1, s30  }
0xbb: {  	s0 =	sor.u32 s3, s0;
	s1 =	sshll.u32 s1, $0x11  }
0xbc: {  	s0 =	sor.u32 s1, s0  }
0xbd: {  	s0 =	sadd.s32 $0x8F2B, s0  }
0xbe: {  	[sflag:s0] =	ssyncadd.remote.s32 $0x1  }
0xbf: {  	_ =	sfence.sel $0xFFFF  }
0xc0: {  	[dreg:$0x0] =	wrdreg $0xFFFFFFFF;
	(pc) =	sbr.abs _section_cstart, $3  }
0xc1: {  	[dreg:$0x1] =	wrdreg $0xFFFFFFFF  }
0xc2: {  	_ =	task.clear_ibuf [dreg:s7], $0x2FFFF;
	_ =	strace $0x9FFFFFFF  }
0xc3: {  	(tm) =	ssettm $0x7FFFFFFF  }
tec
execute0_lowered:
.L_overlay_start_1:
0x0: {  	(tag) =	ssettag $0x1  }
0x1: {  	s0 =	rddreg [dreg:$0x0]  }
0x2: {  	s3 =	rddreg [dreg:$0x1];
	s4 =	stileid.u32  }
0x3: {  	s2 =	srdreg.scid;
	s1 =	rddreg [dreg:$0x2]  }
0x4: {  	s18 =	simm.s32 $0x1000;
	s19 =	simm.s32 $0x100;
	s20 =	simm.s32 $0x1800  }
0x5: {  	s21 =	simm.s32 $0x180;
	s22 =	simm.s32 $0x2000;
	s23 =	simm.s32 $0x200  }
0x6: {  	s24 =	simm.s32 $0x2800;
	s5 =	sand.u32 $0x1, s2;
	s2 =	simm.s32 $0x0  }
0x7: {  	s25 =	simm.s32 $0x280;
	s14 =	sadd.s32 $0x4200, s0;
	[smem:$0x7FF] =	sst s2  }
0x8: {  	s26 =	simm.s32 $0x3000;
	_ =	strace $0x80000047;
	[dreg:$0xe] =	wrdreg s14  }
0x9: {  	s9 =	simm.s32 $0x800;
	s10 =	simm.s32 $0x300;
	[dreg:$0x5] =	wrdreg s18  }
0xa: {  	s11 =	simm.s32 $0x3800;
	s12 =	simm.s32 $0x380;
	[dreg:$0x6] =	wrdreg s19  }
0xb: {  	s13 =	simm.s32 $0x4000;
	s28 =	simm.s32 $0x7800;
	[dreg:$0x7] =	wrdreg s20  }
0xc: {  	s29 =	simm.s32 $0x780;
	s30 =	simm.s32 $0x8000;
	[dreg:$0x8] =	wrdreg s21  }
0xd: {  	s31 =	simm.s32 $0x1;
	s6 =	smul.u32 $0x5000, s4;
	[dreg:$0x9] =	wrdreg s22  }
0xe: {  	s8 =	smul.u32 $0xA000, s4;
	p0 =	sne.s32 s4, $0x0;
	[dreg:$0xa] =	wrdreg s23  }
0xf: {  	s7 =	smul.u32 $0x2800, s5;
	s15 =	ssub.s32 $0x2, s5;
	[dreg:$0xb] =	wrdreg s24  }
0x10: {  	s5 =	smul.u32 $0x5000, s5;
	s0 =	sadd.s32 s8, s0;
	[dreg:$0xc] =	wrdreg s25  }
0x11: {  	s16 =	sshrl.u32 s15, $0x1;
	s8 =	simm.s32 $0x80;
	[dreg:$0xd] =	wrdreg s26  }
0x12: {  	s14 =	simm.s32 $0x400;
	s18 =	simm.s32 $0x500;
	s19 =	simm.s32 $0x5800  }
0x13: {  	s20 =	simm.s32 $0x580;
	s21 =	simm.s32 $0x6000;
	s22 =	simm.s32 $0x600  }
0x14: {  	s23 =	simm.s32 $0x6800;
	s24 =	simm.s32 $0x680;
	s25 =	simm.s32 $0x7000  }
0x15: {  	s26 =	simm.s32 $0x700;
	s6 =	sadd.s32 s7, s6;
	s0 =	sadd.s32 s5, s0  }
0x16: {  	s17 =	ssub.s32 s15, s16;
	s6 =	sshrl.u32 s6, $0x3;
	s0 =	sadd.s32 $0x9200, s0  }
0x17: {  	s7 =	simm.s32 $0x2;
	s3 =	sadd.s32 s6, s3;
	[dreg:$0x10] =	wrdreg s0  }
0x18: {  	s15 =	simm.s32 $0x4800;
	s6 =	smax.u32 s17, $0x1;
	[dreg:$0x4] =	wrdreg s3  }
0x19: {  	s16 =	simm.s32 $0x480;
	[dreg:$0xf] =	wrdreg s6;
	s3 =	sshrl.u32 @!p0 s1, $0x3  }
0x1a: {  	s17 =	simm.s32 $0x5000;
	[dreg:$0x11] =	wrdreg s3;
	s3 =	simm.s32 $0x0  }
.LBB2_1:
0x1b: {  	[dreg:$0x12] =	wrdreg s3  }
0x1c: {  	s0 =	rddreg [dreg:$0xe]  }
0x1d: {  	s3 =	simm.s32 @!p0 $0x1C02;
	s4 =	rddreg [dreg:$0x11]  }
0x1e: {  	[spmem:s4], [sflag:s3] =	dma.local @!p0 [hbm:s0], $0x5000  }
0x1f: {  	s3 =	simm.s32 @!p0 $0x2  }
0x20: {  	_ =	swait.ge @!p0 [sflag:s3], $0x5000  }
0x21: {  	[sflag:s3] =	ssyncset.done @!p0 $0x0  }
0x22: {  	[sflag:s3] =	ssyncadd.s32 @!p0 $0xFFFFB000  }
0x23: {  	[bflag:$0x0] =	sbarrier.arrive $0xFFFF  }
0x24: {  	s6 =	rddreg [dreg:$0x4]  }
0x25: {  	s3 =	sadd.s32 $0x0, s6  }
0x26: {  	[tilespmem:s2], [sflag:$0x2] =	stream.linear.gather [hbm4b:s3+s2], $0x800, $0x38;
	[tilespmem:$0xB000] =	vst v63  }
0x27: {  	_ =	swait.ge [sflag:s7], $0x800  }
0x28: {  	s3 =	rddreg [dreg:$0x6]  }
0x29: {  	[sflag:s7] =	ssyncset.done $0x0;
	s0 =	rddreg [dreg:$0x5]  }
0x2a: {  	s5 =	rddreg [dreg:$0x7];
	[sflag:s7] =	ssyncadd.s32 $0xFFFFF800  }
0x2b: {  	[tilespmem:s9], [sflag:$0x1] =	stream.indirect.gather [spmem:s1], $0x10, s2, s8, $0xb8;
	[tilespmem:$0xB000] =	vst v63  }
0x2c: {  	s6 =	rddreg [dreg:$0x9]  }
0x2d: {  	[tilespmem:s0], [sflag:$0x1] =	stream.indirect.gather [spmem:s1], $0x10, s8, s8, $0xb8;
	[tilespmem:$0xB000] =	vst v63  }
0x2e: {  	s0 =	rddreg [dreg:$0x8]  }
0x2f: {  	[tilespmem:s5], [sflag:$0x1] =	stream.indirect.gather [spmem:s1], $0x10, s3, s8, $0xb8;
	[tilespmem:$0xB000] =	vst v63  }
0x30: {  	s3 =	rddreg [dreg:$0xb]  }
0x31: {  	s5 =	rddreg [dreg:$0xa]  }
0x32: {  	[tilespmem:s6], [sflag:$0x1] =	stream.indirect.gather [spmem:s1], $0x10, s0, s8, $0xb8;
	[tilespmem:$0xB000] =	vst v63  }
0x33: {  	s6 =	rddreg [dreg:$0xd]  }
0x34: {  	[tilespmem:s3], [sflag:$0x1] =	stream.indirect.gather [spmem:s1], $0x10, s5, s8, $0xb8;
	[tilespmem:$0xB000] =	vst v63  }
0x35: {  	s0 =	rddreg [dreg:$0xc]  }
0x36: {  	[tilespmem:s6], [sflag:$0x1] =	stream.indirect.gather [spmem:s1], $0x10, s0, s8, $0xb8;
	[tilespmem:$0xB000] =	vst v63  }
0x37: {  	_ = 	snop  }
0x38: {  	[tilespmem:s11], [sflag:$0x1] =	stream.indirect.gather [spmem:s1], $0x10, s10, s8, $0xb8;
	[tilespmem:$0xB000] =	vst v63  }
0x39: {  	_ = 	snop  }
0x3a: {  	[tilespmem:s13], [sflag:$0x1] =	stream.indirect.gather [spmem:s1], $0x10, s12, s8, $0xb8;
	[tilespmem:$0xB000] =	vst v63  }
0x3b: {  	_ = 	snop  }
0x3c: {  	[tilespmem:s15], [sflag:$0x1] =	stream.indirect.gather [spmem:s1], $0x10, s14, s8, $0xb8;
	[tilespmem:$0xB000] =	vst v63  }
0x3d: {  	_ = 	snop  }
0x3e: {  	[tilespmem:s17], [sflag:$0x1] =	stream.indirect.gather [spmem:s1], $0x10, s16, s8, $0xb8;
	[tilespmem:$0xB000] =	vst v63  }
0x3f: {  	_ = 	snop  }
0x40: {  	[tilespmem:s19], [sflag:$0x1] =	stream.indirect.gather [spmem:s1], $0x10, s18, s8, $0xb8;
	[tilespmem:$0xB000] =	vst v63  }
0x41: {  	_ = 	snop  }
0x42: {  	[tilespmem:s21], [sflag:$0x1] =	stream.indirect.gather [spmem:s1], $0x10, s20, s8, $0xb8;
	[tilespmem:$0xB000] =	vst v63  }
0x43: {  	_ = 	snop  }
0x44: {  	[tilespmem:s23], [sflag:$0x1] =	stream.indirect.gather [spmem:s1], $0x10, s22, s8, $0xb8;
	[tilespmem:$0xB000] =	vst v63  }
0x45: {  	_ = 	snop  }
0x46: {  	[tilespmem:s25], [sflag:$0x1] =	stream.indirect.gather [spmem:s1], $0x10, s24, s8, $0xb8;
	[tilespmem:$0xB000] =	vst v63  }
0x47: {  	_ = 	snop  }
0x48: {  	[tilespmem:s28], [sflag:$0x1] =	stream.indirect.gather [spmem:s1], $0x10, s26, s8, $0xb8;
	[tilespmem:$0xB000] =	vst v63  }
0x49: {  	_ = 	snop  }
0x4a: {  	[tilespmem:s30], [sflag:$0x1] =	stream.indirect.gather [spmem:s1], $0x10, s29, s8, $0xb8;
	[tilespmem:$0xB000] =	vst v63  }
0x4b: {  	_ =	swait.ge [sflag:s31], $0x800  }
0x4c: {  	[sflag:s31] =	ssyncset.done $0x0  }
0x4d: {  	[sflag:s31] =	ssyncadd.s32 $0xFFFFF800  }
0x4e: {  	_ =	swait.ge [sflag:s31], $0x800  }
0x4f: {  	[sflag:s31] =	ssyncset.done $0x0  }
0x50: {  	[sflag:s31] =	ssyncadd.s32 $0xFFFFF800  }
0x51: {  	_ =	swait.ge [sflag:s31], $0x800  }
0x52: {  	[sflag:s31] =	ssyncset.done $0x0  }
0x53: {  	[sflag:s31] =	ssyncadd.s32 $0xFFFFF800  }
0x54: {  	_ =	swait.ge [sflag:s31], $0x800  }
0x55: {  	[sflag:s31] =	ssyncset.done $0x0  }
0x56: {  	[sflag:s31] =	ssyncadd.s32 $0xFFFFF800  }
0x57: {  	_ =	swait.ge [sflag:s31], $0x800  }
0x58: {  	[sflag:s31] =	ssyncset.done $0x0  }
0x59: {  	[sflag:s31] =	ssyncadd.s32 $0xFFFFF800  }
0x5a: {  	_ =	swait.ge [sflag:s31], $0x800  }
0x5b: {  	[sflag:s31] =	ssyncset.done $0x0  }
0x5c: {  	[sflag:s31] =	ssyncadd.s32 $0xFFFFF800  }
0x5d: {  	_ =	swait.ge [sflag:s31], $0x800  }
0x5e: {  	[sflag:s31] =	ssyncset.done $0x0  }
0x5f: {  	[sflag:s31] =	ssyncadd.s32 $0xFFFFF800  }
0x60: {  	_ =	swait.ge [sflag:s31], $0x800  }
0x61: {  	[sflag:s31] =	ssyncset.done $0x0  }
0x62: {  	[sflag:s31] =	ssyncadd.s32 $0xFFFFF800  }
0x63: {  	_ =	swait.ge [sflag:s31], $0x800  }
0x64: {  	[sflag:s31] =	ssyncset.done $0x0  }
0x65: {  	[sflag:s31] =	ssyncadd.s32 $0xFFFFF800  }
0x66: {  	_ =	swait.ge [sflag:s31], $0x800  }
0x67: {  	[sflag:s31] =	ssyncset.done $0x0  }
0x68: {  	[sflag:s31] =	ssyncadd.s32 $0xFFFFF800  }
0x69: {  	_ =	swait.ge [sflag:s31], $0x800  }
0x6a: {  	[sflag:s31] =	ssyncset.done $0x0  }
0x6b: {  	[sflag:s31] =	ssyncadd.s32 $0xFFFFF800  }
0x6c: {  	_ =	swait.ge [sflag:s31], $0x800  }
0x6d: {  	[sflag:s31] =	ssyncset.done $0x0  }
0x6e: {  	[sflag:s31] =	ssyncadd.s32 $0xFFFFF800  }
0x6f: {  	_ =	swait.ge [sflag:s31], $0x800  }
0x70: {  	[sflag:s31] =	ssyncset.done $0x0  }
0x71: {  	[sflag:s31] =	ssyncadd.s32 $0xFFFFF800  }
0x72: {  	_ =	swait.ge [sflag:s31], $0x800  }
0x73: {  	[sflag:s31] =	ssyncset.done $0x0  }
0x74: {  	[sflag:s31] =	ssyncadd.s32 $0xFFFFF800  }
0x75: {  	_ =	swait.ge [sflag:s31], $0x800  }
0x76: {  	[sflag:s31] =	ssyncset.done $0x0  }
0x77: {  	[sflag:s31] =	ssyncadd.s32 $0xFFFFF800  }
0x78: {  	_ =	swait.ge [sflag:s31], $0x800  }
0x79: {  	[sflag:s31] =	ssyncset.done $0x0;
	s5 =	rddreg [dreg:$0x10]  }
0x7a: {  	s3 =	simm.s32 $0x100;
	[sflag:s31] =	ssyncadd.s32 $0xFFFFF800;
	s4 =	sadd.s32 $0x1000, s5  }
.LBB2_2:
0x7b: {  	[hbm4b:s5+s2] =	stream.linear.scatter [tilespmem:s9], [sflag:$0x2], $0x8000, $0x38;
	[tilespmem:$0xB000] =	vst v63  }
0x7c: {  	_ =	swait.ge [sflag:s7], $0x8000  }
0x7d: {  	s6 =	smov.u32 s3;
	s0 =	rddreg [dreg:$0x4];
	[sflag:s7] =	ssyncset.done $0x0  }
0x7e: {  	[sflag:s7] =	ssyncadd.s32 $0xFFFF8000;
	s0 =	sadd.s32 s6, s0  }
0x7f: {  	[tilespmem:s2], [sflag:$0x2] =	stream.linear.gather [hbm4b:s0+s2], $0x800, $0x38;
	[tilespmem:$0xB000] =	vst v63  }
0x80: {  	_ =	swait.ge [sflag:s7], $0x800  }
0x81: {  	s0 =	rddreg [dreg:$0xd]  }
0x82: {  	s6 =	rddreg [dreg:$0xb]  }
0x83: {  	[sflag:s7] =	ssyncset.done $0x0;
	s10 =	rddreg [dreg:$0x6]  }
0x84: {  	s11 =	rddreg [dreg:$0x5];
	[sflag:s7] =	ssyncadd.s32 $0xFFFFF800  }
0x85: {  	[tilespmem:s9], [sflag:$0x1] =	stream.indirect.gather [spmem:s1], $0x10, s2, s8, $0xb8;
	[tilespmem:$0xB000] =	vst v63  }
0x86: {  	s12 =	rddreg [dreg:$0x7]  }
0x87: {  	[tilespmem:s11], [sflag:$0x1] =	stream.indirect.gather [spmem:s1], $0x10, s8, s8, $0xb8;
	[tilespmem:$0xB000] =	vst v63  }
0x88: {  	s13 =	rddreg [dreg:$0x9]  }
0x89: {  	[tilespmem:s12], [sflag:$0x1] =	stream.indirect.gather [spmem:s1], $0x10, s10, s8, $0xb8;
	[tilespmem:$0xB000] =	vst v63  }
0x8a: {  	s11 =	rddreg [dreg:$0x8]  }
0x8b: {  	[tilespmem:s13], [sflag:$0x1] =	stream.indirect.gather [spmem:s1], $0x10, s11, s8, $0xb8;
	[tilespmem:$0xB000] =	vst v63  }
0x8c: {  	s10 =	rddreg [dreg:$0xa]  }
0x8d: {  	[tilespmem:s6], [sflag:$0x1] =	stream.indirect.gather [spmem:s1], $0x10, s10, s8, $0xb8;
	[tilespmem:$0xB000] =	vst v63  }
0x8e: {  	s11 =	rddreg [dreg:$0xc]  }
0x8f: {  	[tilespmem:s0], [sflag:$0x1] =	stream.indirect.gather [spmem:s1], $0x10, s11, s8, $0xb8;
	[tilespmem:$0xB000] =	vst v63  }
0x90: {  	s10 =	simm.s32 $0x300;
	s11 =	simm.s32 $0x3800  }
0x91: {  	[tilespmem:s11], [sflag:$0x1] =	stream.indirect.gather [spmem:s1], $0x10, s10, s8, $0xb8;
	[tilespmem:$0xB000] =	vst v63  }
0x92: {  	s12 =	simm.s32 $0x380;
	s13 =	simm.s32 $0x4000  }
0x93: {  	[tilespmem:s13], [sflag:$0x1] =	stream.indirect.gather [spmem:s1], $0x10, s12, s8, $0xb8;
	[tilespmem:$0xB000] =	vst v63  }
0x94: {  	_ = 	snop  }
0x95: {  	[tilespmem:s15], [sflag:$0x1] =	stream.indirect.gather [spmem:s1], $0x10, s14, s8, $0xb8;
	[tilespmem:$0xB000] =	vst v63  }
0x96: {  	_ = 	snop  }
0x97: {  	[tilespmem:s17], [sflag:$0x1] =	stream.indirect.gather [spmem:s1], $0x10, s16, s8, $0xb8;
	[tilespmem:$0xB000] =	vst v63  }
0x98: {  	_ = 	snop  }
0x99: {  	[tilespmem:s19], [sflag:$0x1] =	stream.indirect.gather [spmem:s1], $0x10, s18, s8, $0xb8;
	[tilespmem:$0xB000] =	vst v63  }
0x9a: {  	_ = 	snop  }
0x9b: {  	[tilespmem:s21], [sflag:$0x1] =	stream.indirect.gather [spmem:s1], $0x10, s20, s8, $0xb8;
	[tilespmem:$0xB000] =	vst v63  }
0x9c: {  	_ = 	snop  }
0x9d: {  	[tilespmem:s23], [sflag:$0x1] =	stream.indirect.gather [spmem:s1], $0x10, s22, s8, $0xb8;
	[tilespmem:$0xB000] =	vst v63  }
0x9e: {  	_ = 	snop  }
0x9f: {  	[tilespmem:s25], [sflag:$0x1] =	stream.indirect.gather [spmem:s1], $0x10, s24, s8, $0xb8;
	[tilespmem:$0xB000] =	vst v63  }
0xa0: {  	_ = 	snop  }
0xa1: {  	[tilespmem:s28], [sflag:$0x1] =	stream.indirect.gather [spmem:s1], $0x10, s26, s8, $0xb8;
	[tilespmem:$0xB000] =	vst v63  }
0xa2: {  	_ = 	snop  }
0xa3: {  	[tilespmem:s30], [sflag:$0x1] =	stream.indirect.gather [spmem:s1], $0x10, s29, s8, $0xb8;
	[tilespmem:$0xB000] =	vst v63  }
0xa4: {  	_ =	swait.ge [sflag:s31], $0x800  }
0xa5: {  	[sflag:s31] =	ssyncset.done $0x0  }
0xa6: {  	[sflag:s31] =	ssyncadd.s32 $0xFFFFF800  }
0xa7: {  	_ =	swait.ge [sflag:s31], $0x800  }
0xa8: {  	[sflag:s31] =	ssyncset.done $0x0  }
0xa9: {  	[sflag:s31] =	ssyncadd.s32 $0xFFFFF800  }
0xaa: {  	_ =	swait.ge [sflag:s31], $0x800  }
0xab: {  	[sflag:s31] =	ssyncset.done $0x0  }
0xac: {  	[sflag:s31] =	ssyncadd.s32 $0xFFFFF800  }
0xad: {  	_ =	swait.ge [sflag:s31], $0x800  }
0xae: {  	[sflag:s31] =	ssyncset.done $0x0  }
0xaf: {  	[sflag:s31] =	ssyncadd.s32 $0xFFFFF800  }
0xb0: {  	_ =	swait.ge [sflag:s31], $0x800  }
0xb1: {  	[sflag:s31] =	ssyncset.done $0x0  }
0xb2: {  	[sflag:s31] =	ssyncadd.s32 $0xFFFFF800  }
0xb3: {  	_ =	swait.ge [sflag:s31], $0x800  }
0xb4: {  	[sflag:s31] =	ssyncset.done $0x0  }
0xb5: {  	[sflag:s31] =	ssyncadd.s32 $0xFFFFF800  }
0xb6: {  	_ =	swait.ge [sflag:s31], $0x800  }
0xb7: {  	[sflag:s31] =	ssyncset.done $0x0  }
0xb8: {  	[sflag:s31] =	ssyncadd.s32 $0xFFFFF800  }
0xb9: {  	_ =	swait.ge [sflag:s31], $0x800  }
0xba: {  	[sflag:s31] =	ssyncset.done $0x0  }
0xbb: {  	[sflag:s31] =	ssyncadd.s32 $0xFFFFF800  }
0xbc: {  	_ =	swait.ge [sflag:s31], $0x800  }
0xbd: {  	[sflag:s31] =	ssyncset.done $0x0  }
0xbe: {  	[sflag:s31] =	ssyncadd.s32 $0xFFFFF800  }
0xbf: {  	_ =	swait.ge [sflag:s31], $0x800  }
0xc0: {  	[sflag:s31] =	ssyncset.done $0x0  }
0xc1: {  	[sflag:s31] =	ssyncadd.s32 $0xFFFFF800  }
0xc2: {  	_ =	swait.ge [sflag:s31], $0x800  }
0xc3: {  	[sflag:s31] =	ssyncset.done $0x0  }
0xc4: {  	[sflag:s31] =	ssyncadd.s32 $0xFFFFF800  }
0xc5: {  	_ =	swait.ge [sflag:s31], $0x800  }
0xc6: {  	[sflag:s31] =	ssyncset.done $0x0  }
0xc7: {  	[sflag:s31] =	ssyncadd.s32 $0xFFFFF800  }
0xc8: {  	_ =	swait.ge [sflag:s31], $0x800  }
0xc9: {  	[sflag:s31] =	ssyncset.done $0x0  }
0xca: {  	[sflag:s31] =	ssyncadd.s32 $0xFFFFF800  }
0xcb: {  	_ =	swait.ge [sflag:s31], $0x800  }
0xcc: {  	[sflag:s31] =	ssyncset.done $0x0  }
0xcd: {  	[sflag:s31] =	ssyncadd.s32 $0xFFFFF800  }
0xce: {  	p1 =	sne.s32 s3, $0x400;
	_ =	swait.ge [sflag:s31], $0x800  }
.Ltmp0:
0xcf: {  	[sflag:s31] =	ssyncset.done $0x0;
	(pc) =	sbr.rel @p1 .LBB2_2-.Ltmp0, $4  }
0xd0: {  	[sflag:s31] =	ssyncadd.s32 $0xFFFFF800  }
0xd1: {  	_ =	swait.ge [sflag:s31], $0x800  }
0xd2: {  	s5 =	smov.u32 s4;
	[sflag:s31] =	ssyncset.done $0x0  }
0xd3: {  	s3 =	sadd.s32 $0x100, s3;
	s4 =	sadd.s32 $0x1000, s4;
	[sflag:s31] =	ssyncadd.s32 $0xFFFFF800  }
0xd4: {  	[hbm4b:s5+s2] =	stream.linear.scatter [tilespmem:s9], [sflag:$0x2], $0x8000, $0x38;
	[tilespmem:$0xB000] =	vst v63  }
0xd5: {  	_ =	swait.ge [sflag:s7], $0x8000  }
0xd6: {  	s3 =	rddreg [dreg:$0x12]  }
0xd7: {  	s0 =	rddreg [dreg:$0xf];
	s3 =	sadd.s32 $0x1, s3  }
0xd8: {  	p1 =	sne.s32 s3, s0  }
.Ltmp1:
0xd9: {  	_ = 	snop;
	(pc) =	sbr.rel @p1 .LBB2_1-.Ltmp1, $3  }
0xda: {  	_ =	sdelay $0x1  }
0xdb: {  	[sflag:s7] =	ssyncset.done $0x0  }
0xdc: {  	[sflag:s7] =	ssyncadd.s32 $0xFFFF8000  }
0xdd: {  	_ =	sfence.sel $0x180000  }
0xde: {  	[bflag:$0x0] =	sbarrier.arrive $0xFFFF  }
0xdf: {  	_ =	strace $0x90000047  }
0xe0: {  	[bflag:$0x2] =	sbarrier.arrive $0xFFFF  }
0xe1: {  	s0 =	rddreg [dreg:$0x3]  }
0xe2: {  	s0 =	sadd.s32 @!p0 $0x100000, s0  }
0xe3: {  	[sflag:s0] =	ssyncadd.tile.s32 @!p0 $0x1;
	_ =	shalt  }
.Lfunc_end2:
_tile_overlayer_lowered:
.L_overlay_start_2:
0xe4: {  	(tag) =	ssettag $0x2  }
0xe5: {  	s0 =	rddreg [dreg:$0x0];
	s2 =	stileid.u32  }
0xe6: {  	s1 =	rddreg [dreg:$0x1];
	p0 =	sne.s32 s2, $0x0  }
0xe7: {  	s3 =	rddreg [dreg:$0x2];
	[bflag:$0x3] =	sbarrier.arrive $0xFFFF;
	s2 =	simm.s32 @!p0 $0x1C02  }
0xe8: {  	[timem:s3], [sflag:s2] =	dma.local @!p0 [hbm:s0], s1  }
0xe9: {  	s0 =	simm.s32 @!p0 $0x2  }
0xea: {  	_ =	swait.ge @!p0 [sflag:s0], s1  }
0xeb: {  	s1 =	ssub.s32 @!p0 $0x0, s1;
	[sflag:s0] =	ssyncset.done @!p0 $0x0  }
0xec: {  	[sflag:s0] =	ssyncadd.s32 @!p0 s1  }
0xed: {  	[bflag:$0x3] =	sbarrier.arrive $0xFFFF  }
0xee: {  	_ =	shalt  }

</sc_bundles>
